<compile_context>
chip_gen: v7x
topology: tpu7x:2x2x1
jax: 0.10.2.dev20260603
libtpu: 0.0.44.dev20260713+nightly
codegen_flags: <defaults>
</compile_context>

<pallas_src>
import functools

import jax
import jax.numpy as jnp
from jax import lax
from jax.experimental import pallas as pl
from jax.experimental.pallas import tpu as pltpu
from jax.experimental.pallas import tpu_sc as plsc

NY, NX, C = 162, 162, 128
NB = 4
S = NY * NX
SP = 26624
TOT = NB * SP
P = 40000

NTILES = 32
RANGE = TOT // NTILES
CHUNK = 2512
PPAD = 16 * CHUNK
NGRP = PPAD // 16
LCAP = RANGE + 128
KCH = 3

_mesh = plsc.VectorSubcoreMesh(core_axis_name="c", subcore_axis_name="s")


@functools.partial(
    pl.kernel,
    out_type=[
        jax.ShapeDtypeStruct((TOT + 128, C), jnp.float32),
        jax.ShapeDtypeStruct((TOT,), jnp.int32),
    ],
    mesh=_mesh,
    scratch_types=[
        pltpu.VMEM((PPAD // 4,), jnp.int32),
        pltpu.VMEM((RANGE,), jnp.int32),
        pltpu.VMEM((TOT // 8,), jnp.int32),
        pltpu.VMEM((RANGE,), jnp.int32),
        pltpu.VMEM((4 * CHUNK,), jnp.int32),
        pltpu.VMEM((KCH * 128, C), jnp.float32),
        pltpu.VMEM((LCAP,), jnp.int32),
        pltpu.VMEM((LCAP,), jnp.int32),
        pltpu.VMEM((LCAP // 128, 128), jnp.int32),
        pltpu.VMEM_SHARED((PPAD,), jnp.int32),
        pltpu.VMEM_SHARED((16, TOT // 8), jnp.int32),
        pltpu.SemaphoreType.DMA,
        pltpu.SemaphoreType.DMA,
    ],
    compiler_params=pltpu.CompilerParams(needs_layout_passes=False),
)
def _k1(coors_hbm, vf_hbm, staging_hbm, winner_hbm,
        g2_v, winner_v, part_v, tmp_v, coorsw_v, rows_v, wl_v, sl_v,
        sl2_v, g2_sp, part_sp, gsem, ssem):
    sid = lax.axis_index("s")
    wid = lax.axis_index("c") * 16 + sid
    lo = wid * RANGE
    lane = jnp.arange(16, dtype=jnp.int32)
    neg1 = jnp.full((16,), -1, jnp.int32)

    cb = sid * CHUNK

    @pl.when(sid < 15)
    def _():
        pltpu.sync_copy(coors_hbm.at[pl.ds(cb * 4, 4 * CHUNK)], coorsw_v)

    @pl.when(sid == 15)
    def _():
        n_tail = 4 * (P - 15 * CHUNK)
        pltpu.sync_copy(coors_hbm.at[pl.ds(cb * 4, n_tail)],
                        coorsw_v.at[pl.ds(0, n_tail)])

    def _ga(i, _):
        off = i * 64 + lane * 4
        b = plsc.load_gather(coorsw_v, [off]) & 3
        y = plsc.load_gather(coorsw_v, [off + 2])
        x = plsc.load_gather(coorsw_v, [off + 3])
        g2 = b * SP + y * NX + x
        pmask = (cb + i * 16 + lane) < P
        g2_v[pl.ds(i * 16, 16)] = jnp.where(pmask, g2, TOT)
        return 0
    lax.fori_loop(0, CHUNK // 16, _ga, 0)
    pltpu.sync_copy(g2_v.at[pl.ds(0, CHUNK)], g2_sp.at[pl.ds(cb, CHUNK)])
    plsc.subcore_barrier()

    CL = TOT // 8
    QP = PPAD // 4
    cl = sid // 4
    qt = sid % 4
    clo = lax.axis_index("c") * (TOT // 2) + cl * CL

    def _init(i, _):
        part_v[pl.ds(i * 16, 16)] = neg1
        return 0
    lax.fori_loop(0, CL // 16, _init, 0)

    pltpu.sync_copy(g2_sp.at[pl.ds(qt * QP, QP)], g2_v)

    def _scan(i4, _):
        for u in range(4):
            i = i4 * 4 + u
            il = g2_v[pl.ds(i * 16, 16)] - clo
            m = (il >= 0) & (il < CL)
            ilc = jnp.where(m, il, 0)
            p_vec = qt * QP + i * 16 + lane
            plsc.store_scatter(part_v, [ilc], p_vec, mask=m)
        return 0
    lax.fori_loop(0, QP // 16 // 4, _scan, 0)

    pltpu.sync_copy(part_v, part_sp.at[sid])
    plsc.subcore_barrier()

    sub = qt * RANGE
    pltpu.sync_copy(part_sp.at[cl * 4, pl.ds(sub, RANGE)], winner_v)
    for q2 in range(1, 4):
        pltpu.sync_copy(part_sp.at[cl * 4 + q2, pl.ds(sub, RANGE)], tmp_v)

        def _mx(i, _):
            winner_v[pl.ds(i * 16, 16)] = jnp.maximum(
                winner_v[pl.ds(i * 16, 16)], tmp_v[pl.ds(i * 16, 16)])
            return 0
        lax.fori_loop(0, RANGE // 16, _mx, 0)

    pltpu.sync_copy(winner_v, winner_hbm.at[pl.ds(lo, RANGE)])

    def _pref(i, _):
        pos = i * 16 + lane
        wl_v[pl.ds(i * 16, 16)] = (pos + wid * 128) & 16383
        sl_v[pl.ds(i * 16, 16)] = TOT + ((pos + wid * 4) & 127)
        return 0
    lax.fori_loop(0, LCAP // 16, _pref, 0)

    def _cmp(j, acc):
        w16 = winner_v[pl.ds(j * 16, 16)]
        valid = w16 >= 0
        plsc.store_compressed(wl_v.at[pl.ds(acc, 16)], w16, mask=valid)
        slot = lo + j * 16 + lane
        plsc.store_compressed(sl_v.at[pl.ds(acc, 16)], slot, mask=valid)
        return acc + jnp.sum(valid.astype(jnp.int32))
    nv = lax.fori_loop(0, RANGE // 16, _cmp, jnp.int32(0))

    def _c2o(kk, _):
        def _c2i(j, _):
            sl2_v[kk, pl.ds(j * 16, 16)] = sl_v[pl.ds(kk * 128 + j * 16, 16)]
            return 0
        lax.fori_loop(0, 8, _c2i, 0)
        return 0
    lax.fori_loop(0, LCAP // 128, _c2o, 0)

    nsc = (nv + (KCH * 128 - 1)) // (KCH * 128)

    def _sc(t, _):
        base = t * (KCH * 128)
        hs = [pltpu.async_copy(
                  vf_hbm.at[wl_v.at[pl.ds(base + q * 128, 128)]],
                  rows_v.at[pl.ds(q * 128, 128), :], gsem)
              for q in range(KCH)]
        for h in hs:
            h.wait()
        hs2 = [pltpu.async_copy(
                   rows_v.at[pl.ds(q * 128, 128), :],
                   staging_hbm.at[sl2_v.at[t * KCH + q]], ssem)
               for q in range(KCH)]
        for h in hs2:
            h.wait()
        return 0
    lax.fori_loop(0, nsc, _sc, 0)


SCH = 13312


def _k2_body(wref, sref, oref):
    x = sref[...]
    wm = wref[0, 0]
    xt = x.T
    oref[0] = jnp.where((wm >= 0)[None, :], xt, 0.0)


_k2 = pl.pallas_call(
    _k2_body,
    grid=(NB, SP // SCH),
    in_specs=[
        pl.BlockSpec((1, 1, SCH), lambda b, s: ((SP // SCH) * b + s, 0, 0)),
        pl.BlockSpec((SCH, C), lambda b, s: ((SP // SCH) * b + s, 0)),
    ],
    out_specs=pl.BlockSpec((1, C, SCH), lambda b, s: (b, 0, s)),
    out_shape=jax.ShapeDtypeStruct((NB, C, S), jnp.float32),
    compiler_params=pltpu.CompilerParams(
        dimension_semantics=("parallel", "parallel")),
)


def kernel(voxel_features, coors, batch_size):
    del batch_size
    coors_flat = coors.reshape(-1)
    staging, winner = _k1(coors_flat, voxel_features)
    out = _k2(winner.reshape(TOT // SCH, 1, SCH), staging)
    return out.reshape(NB, C, NY, NX)

# --- scband reference (transcript-rebuilt; emitter-appended) ---
"""Pipeline reference for scband-point-pillars-scatter-46050639347746 (READ-ONLY COPY).

The authoritative reference and input builder live on the scoring server;
editing this copy changes nothing except your own understanding.
"""

import jax, jax.numpy as jnp
import numpy as np

NY, NX, C = 162, 162, 128
B = 4

def setup_inputs(seed: int = 0) -> dict:
    key = jax.random.key(seed)
    P = 40000
    B = 4
    kb, ky, kx, kf = jax.random.split(key, 4)
    b = jax.random.randint(kb, (P,), 0, B, dtype=jnp.int32)
    z = jnp.zeros((P,), dtype=jnp.int32)
    y = jax.random.randint(ky, (P,), 0, NY, dtype=jnp.int32)
    x = jax.random.randint(kx, (P,), 0, NX, dtype=jnp.int32)
    coors = jnp.stack([b, z, y, x], axis=1)
    voxel_features = jax.random.normal(kf, (P, C), dtype=jnp.float32)
    return {"voxel_features": voxel_features, "coors": coors, "batch_size": B}

def reference(voxel_features, coors, batch_size):
    # PointPillarsScatter: scatter pillar features onto a dense BEV canvas.
    # torch equivalent: per-batch canvas[:, y*nx+x] = voxels.t(); stack; reshape.
    canvas = jnp.zeros((B, C, NY * NX), dtype=voxel_features.dtype)
    b = coors[:, 0] % batch_size
    spatial = coors[:, 2] * NX + coors[:, 3]
    canvas = canvas.at[b, :, spatial].set(voxel_features)
    return canvas.reshape(B, C, NY, NX)

if __name__ == "__main__":
    import jax
    _d = setup_inputs()
    print(jax.jit(kernel)(*tuple(_d.values())))

</pallas_src>

<mosaic_0001>
#map = affine_map<(d0, d1) -> (0)>
#map1 = affine_map<(d0, d1) -> (0, 0)>
module attributes {stable_mosaic.version = 14 : i64} {
  func.func @_k1(%arg0: i32, %arg1: i32, %arg2: memref<160000xi32, #tpu.memory_space<hbm>>, %arg3: memref<40000x128xf32, #tpu.memory_space<hbm>>, %arg4: memref<106624x128xf32, #tpu.memory_space<hbm>>, %arg5: memref<106496xi32, #tpu.memory_space<hbm>>, %arg6: memref<10048xi32, #tpu.memory_space<vmem>>, %arg7: memref<3328xi32, #tpu.memory_space<vmem>>, %arg8: memref<13312xi32, #tpu.memory_space<vmem>>, %arg9: memref<3328xi32, #tpu.memory_space<vmem>>, %arg10: memref<10048xi32, #tpu.memory_space<vmem>>, %arg11: memref<384x128xf32, #tpu.memory_space<vmem>>, %arg12: memref<3456xi32, #tpu.memory_space<vmem>>, %arg13: memref<3456xi32, #tpu.memory_space<vmem>>, %arg14: memref<27x128xi32, #tpu.memory_space<vmem>>, %arg15: memref<40192xi32, #tpu.memory_space<vmem_shared>>, %arg16: memref<16x13312xi32, #tpu.memory_space<vmem_shared>>, %arg17: memref<!tpu.dma_semaphore, #tpu.memory_space<semaphore_mem>>, %arg18: memref<!tpu.dma_semaphore, #tpu.memory_space<semaphore_mem>>) attributes {dimension_semantics = [#tpu.dimension_semantics<core_parallel>, #tpu.dimension_semantics<subcore_parallel>], iteration_bounds = array<i64: 2, 16>, scalar_prefetch = 0 : i64, scratch_operands = 13 : i64, tpu.core_type = #tpu.core_type<sc_vector_subcore>, window_params = [{transform_indices = #map}, {transform_indices = #map1}, {transform_indices = #map1}, {transform_indices = #map}]} {
    %mul3A = arith.constant 16 : i32
    %mul3A_0 = arith.muli %arg0, %mul3A : i32
    %add3A = arith.addi %mul3A_0, %arg1 : i32
    %mul3A_1 = arith.constant 3328 : i32
    %mul3A_2 = arith.muli %add3A, %mul3A_1 : i32
    %iota3A = tpu.iota {dimensions = array<i32: 0>} : vector<16xi32>
    %broadcast_in_dim3A = arith.constant -1 : i32
    %broadcast_in_dim3A_3 = vector.broadcast %broadcast_in_dim3A : i32 to vector<16xi32>
    %mul3A_4 = arith.constant 2512 : i32
    %mul3A_5 = arith.muli %arg1, %mul3A_4 : i32
    %lt3A = arith.constant 15 : i32
    %lt3A_6 = arith.cmpi slt, %arg1, %lt3A : i32
    %convert_element_type3A = arith.extui %lt3A_6 : i1 to i32
    %cond3A = arith.constant 0 : i32
    %cond3A_7 = arith.cmpi ne, %convert_element_type3A, %cond3A : i32
    scf.if %cond3A_7 {
      %mul3A_167 = arith.constant 4 : i32
      %mul3A_168 = arith.muli %mul3A_5, %mul3A_167 : i32
      "tpu.region"() ({
        %run_scoped3A = tpu.sem_alloc : memref<!tpu.dma_semaphore, #tpu.memory_space<semaphore_mem>>
        %dma_start3A = tpu.memref_slice %arg2[%mul3A_168] : memref<160000xi32, #tpu.memory_space<hbm>> -> memref<10048xi32, #tpu.memory_space<hbm>>
        %dma_start3A_169 = tpu.memref_slice %arg2[%mul3A_168] : memref<160000xi32, #tpu.memory_space<hbm>> -> memref<10048xi32, #tpu.memory_space<hbm>>
        tpu.enqueue_dma source(%dma_start3A_169 : memref<10048xi32, #tpu.memory_space<hbm>>) target(%arg10 : memref<10048xi32, #tpu.memory_space<vmem>>) target_semaphore(%run_scoped3A : memref<!tpu.dma_semaphore, #tpu.memory_space<semaphore_mem>>)
        %dma_wait3A = tpu.memref_slice %arg2[%mul3A_168] : memref<160000xi32, #tpu.memory_space<hbm>> -> memref<10048xi32, #tpu.memory_space<hbm>>
        %dma_wait3A_170 = tpu.memref_slice %arg2[%mul3A_168] : memref<160000xi32, #tpu.memory_space<hbm>> -> memref<10048xi32, #tpu.memory_space<hbm>>
        tpu.wait_dma2 semaphore(%run_scoped3A : memref<!tpu.dma_semaphore, #tpu.memory_space<semaphore_mem>>) src(%dma_wait3A_170 : memref<10048xi32, #tpu.memory_space<hbm>>) dst(%arg10 : memref<10048xi32, #tpu.memory_space<vmem>>)
        tpu.yield
      }) : () -> ()
    } else {
    }
    %eq3A = arith.constant 15 : i32
    %eq3A_8 = arith.cmpi eq, %arg1, %eq3A : i32
    %convert_element_type3A_9 = arith.extui %eq3A_8 : i1 to i32
    %cond3A_10 = arith.constant 0 : i32
    %cond3A_11 = arith.cmpi ne, %convert_element_type3A_9, %cond3A_10 : i32
    scf.if %cond3A_11 {
      %mul3A_167 = arith.constant 4 : i32
      %mul3A_168 = arith.muli %mul3A_5, %mul3A_167 : i32
      "tpu.region"() ({
        %run_scoped3A = tpu.sem_alloc : memref<!tpu.dma_semaphore, #tpu.memory_space<semaphore_mem>>
        %dma_start3A = arith.constant 0 : i32
        %dma_start3A_169 = tpu.memref_slice %arg10[%dma_start3A] : memref<10048xi32, #tpu.memory_space<vmem>> -> memref<9280xi32, #tpu.memory_space<vmem>>
        %dma_start3A_170 = tpu.memref_slice %arg2[%mul3A_168] : memref<160000xi32, #tpu.memory_space<hbm>> -> memref<9280xi32, #tpu.memory_space<hbm>>
        %dma_start3A_171 = arith.constant 0 : i32
        %dma_start3A_172 = tpu.memref_slice %arg10[%dma_start3A_171] : memref<10048xi32, #tpu.memory_space<vmem>> -> memref<9280xi32, #tpu.memory_space<vmem>>
        %dma_start3A_173 = tpu.memref_slice %arg2[%mul3A_168] : memref<160000xi32, #tpu.memory_space<hbm>> -> memref<9280xi32, #tpu.memory_space<hbm>>
        tpu.enqueue_dma source(%dma_start3A_173 : memref<9280xi32, #tpu.memory_space<hbm>>) target(%dma_start3A_172 : memref<9280xi32, #tpu.memory_space<vmem>>) target_semaphore(%run_scoped3A : memref<!tpu.dma_semaphore, #tpu.memory_space<semaphore_mem>>)
        %dma_wait3A = arith.constant 0 : i32
        %dma_wait3A_174 = tpu.memref_slice %arg10[%dma_wait3A] : memref<10048xi32, #tpu.memory_space<vmem>> -> memref<9280xi32, #tpu.memory_space<vmem>>
        %dma_wait3A_175 = tpu.memref_slice %arg2[%mul3A_168] : memref<160000xi32, #tpu.memory_space<hbm>> -> memref<9280xi32, #tpu.memory_space<hbm>>
        %dma_wait3A_176 = arith.constant 0 : i32
        %dma_wait3A_177 = tpu.memref_slice %arg10[%dma_wait3A_176] : memref<10048xi32, #tpu.memory_space<vmem>> -> memref<9280xi32, #tpu.memory_space<vmem>>
        %dma_wait3A_178 = tpu.memref_slice %arg2[%mul3A_168] : memref<160000xi32, #tpu.memory_space<hbm>> -> memref<9280xi32, #tpu.memory_space<hbm>>
        tpu.wait_dma2 semaphore(%run_scoped3A : memref<!tpu.dma_semaphore, #tpu.memory_space<semaphore_mem>>) src(%dma_wait3A_178 : memref<9280xi32, #tpu.memory_space<hbm>>) dst(%dma_wait3A_177 : memref<9280xi32, #tpu.memory_space<vmem>>)
        tpu.yield
      }) : () -> ()
    } else {
    }
    %scan3A = arith.constant 0 : i32
    %scan3A_12 = arith.constant 0 : i32
    %scan3A_13 = arith.constant 157 : i32
    %scan3A_14 = arith.addi %scan3A_12, %scan3A_13 : i32
    %scan3A_15 = arith.constant 1 : i32
    %scan3A_16 = scf.for %scan3A_167 = %scan3A_12 to %scan3A_14 step %scan3A_15 iter_args(%scan3A_168 = %scan3A) -> (i32)  : i32 {
      %mul3A_169 = arith.constant 64 : i32
      %mul3A_170 = arith.muli %scan3A_167, %mul3A_169 : i32
      %mul3A_171 = arith.constant 4 : i32
      %mul3A_172 = vector.broadcast %mul3A_171 : i32 to vector<16xi32>
      %mul3A_173 = arith.muli %iota3A, %mul3A_172 : vector<16xi32>
      %add3A_174 = vector.broadcast %mul3A_170 : i32 to vector<16xi32>
      %add3A_175 = arith.addi %add3A_174, %mul3A_173 : vector<16xi32>
      %gather3A = tpu.vector_load_idx %arg10[%add3A_175] : memref<10048xi32, #tpu.memory_space<vmem>>[vector<16xi32>], vector<16xi32>,
      %and3A_176 = arith.constant 3 : i32
      %and3A_177 = vector.broadcast %and3A_176 : i32 to vector<16xi32>
      %and3A_178 = arith.andi %gather3A, %and3A_177 : vector<16xi32>
      %add3A_179 = arith.constant 2 : i32
      %add3A_180 = vector.broadcast %add3A_179 : i32 to vector<16xi32>
      %add3A_181 = arith.addi %add3A_175, %add3A_180 : vector<16xi32>
      %gather3A_182 = tpu.vector_load_idx %arg10[%add3A_181] : memref<10048xi32, #tpu.memory_space<vmem>>[vector<16xi32>], vector<16xi32>,
      %add3A_183 = arith.constant 3 : i32
      %add3A_184 = vector.broadcast %add3A_183 : i32 to vector<16xi32>
      %add3A_185 = arith.addi %add3A_175, %add3A_184 : vector<16xi32>
      %gather3A_186 = tpu.vector_load_idx %arg10[%add3A_185] : memref<10048xi32, #tpu.memory_space<vmem>>[vector<16xi32>], vector<16xi32>,
      %mul3A_187 = arith.constant 26624 : i32
      %mul3A_188 = vector.broadcast %mul3A_187 : i32 to vector<16xi32>
      %mul3A_189 = arith.muli %and3A_178, %mul3A_188 : vector<16xi32>
      %mul3A_190 = arith.constant 162 : i32
      %mul3A_191 = vector.broadcast %mul3A_190 : i32 to vector<16xi32>
      %mul3A_192 = arith.muli %gather3A_182, %mul3A_191 : vector<16xi32>
      %add3A_193 = arith.addi %mul3A_189, %mul3A_192 : vector<16xi32>
      %add3A_194 = arith.addi %add3A_193, %gather3A_186 : vector<16xi32>
      %mul3A_195 = arith.constant 16 : i32
      %mul3A_196 = arith.muli %scan3A_167, %mul3A_195 : i32
      %add3A_197 = arith.addi %mul3A_5, %mul3A_196 : i32
      %add3A_198 = vector.broadcast %add3A_197 : i32 to vector<16xi32>
      %add3A_199 = arith.addi %add3A_198, %iota3A : vector<16xi32>
      %lt3A_200 = arith.constant 40000 : i32
      %lt3A_201 = vector.broadcast %lt3A_200 : i32 to vector<16xi32>
      %lt3A_202 = arith.cmpi slt, %add3A_199, %lt3A_201 : vector<16xi32>
      %jit3A_203 = arith.constant 106496 : i32
      %broadcast_in_dim3A_204 = vector.broadcast %jit3A_203 : i32 to vector<16xi32>
      %select_n3A_205 = arith.select %lt3A_202, %add3A_194, %broadcast_in_dim3A_204 : vector<16xi1>, vector<16xi32>
      %mul3A_206 = arith.constant 16 : i32
      %mul3A_207 = arith.muli %scan3A_167, %mul3A_206 : i32
      %swap3A = arith.index_cast %mul3A_207 : i32 to index
      %swap3A_208 = tpu.vector_load %arg6[%swap3A] {strides = array<i32>} : memref<10048xi32, #tpu.memory_space<vmem>>, vector<16xi32>,
      tpu.vector_store %arg6[%swap3A], %select_n3A_205 {strides = array<i32>} : memref<10048xi32, #tpu.memory_space<vmem>>, vector<16xi32>,
      %scan3A_209 = arith.constant 0 : i32
      scf.yield %scan3A_209 : i32
    }
    %scan3A_17 = arith.constant 157 : i32
    "tpu.region"() ({
      %run_scoped3A = tpu.sem_alloc : memref<!tpu.dma_semaphore, #tpu.memory_space<semaphore_mem>>
      %dma_start3A = arith.constant 0 : i32
      %dma_start3A_167 = tpu.memref_slice %arg6[%dma_start3A] : memref<10048xi32, #tpu.memory_space<vmem>> -> memref<2512xi32, #tpu.memory_space<vmem>>
      %dma_start3A_168 = tpu.memref_slice %arg15[%mul3A_5] : memref<40192xi32, #tpu.memory_space<vmem_shared>> -> memref<2512xi32, #tpu.memory_space<vmem_shared>>
      %dma_start3A_169 = tpu.memref_slice %arg15[%mul3A_5] : memref<40192xi32, #tpu.memory_space<vmem_shared>> -> memref<2512xi32, #tpu.memory_space<vmem_shared>>
      %dma_start3A_170 = arith.constant 0 : i32
      %dma_start3A_171 = tpu.memref_slice %arg6[%dma_start3A_170] : memref<10048xi32, #tpu.memory_space<vmem>> -> memref<2512xi32, #tpu.memory_space<vmem>>
      tpu.enqueue_dma source(%dma_start3A_171 : memref<2512xi32, #tpu.memory_space<vmem>>) target(%dma_start3A_169 : memref<2512xi32, #tpu.memory_space<vmem_shared>>) target_semaphore(%run_scoped3A : memref<!tpu.dma_semaphore, #tpu.memory_space<semaphore_mem>>)
      %dma_wait3A = arith.constant 0 : i32
      %dma_wait3A_172 = tpu.memref_slice %arg6[%dma_wait3A] : memref<10048xi32, #tpu.memory_space<vmem>> -> memref<2512xi32, #tpu.memory_space<vmem>>
      %dma_wait3A_173 = tpu.memref_slice %arg15[%mul3A_5] : memref<40192xi32, #tpu.memory_space<vmem_shared>> -> memref<2512xi32, #tpu.memory_space<vmem_shared>>
      %dma_wait3A_174 = tpu.memref_slice %arg15[%mul3A_5] : memref<40192xi32, #tpu.memory_space<vmem_shared>> -> memref<2512xi32, #tpu.memory_space<vmem_shared>>
      %dma_wait3A_175 = arith.constant 0 : i32
      %dma_wait3A_176 = tpu.memref_slice %arg6[%dma_wait3A_175] : memref<10048xi32, #tpu.memory_space<vmem>> -> memref<2512xi32, #tpu.memory_space<vmem>>
      tpu.wait_dma2 semaphore(%run_scoped3A : memref<!tpu.dma_semaphore, #tpu.memory_space<semaphore_mem>>) src(%dma_wait3A_176 : memref<2512xi32, #tpu.memory_space<vmem>>) dst(%dma_wait3A_174 : memref<2512xi32, #tpu.memory_space<vmem_shared>>)
      tpu.yield
    }) : () -> ()
    %barrier3A = arith.constant 0 : index
    tpu.barrier barrier_id(%barrier3A)
    %jit3A = arith.constant 4 : i32
    %div3A = arith.divsi %arg1, %jit3A : i32
    %sign3A = arith.constant 0 : i32
    %sign3A_18 = arith.cmpi sgt, %arg1, %sign3A : i32
    %sign3A_19 = arith.extui %sign3A_18 : i1 to i32
    %sign3A_20 = arith.constant 0 : i32
    %sign3A_21 = arith.cmpi slt, %arg1, %sign3A_20 : i32
    %sign3A_22 = arith.extui %sign3A_21 : i1 to i32
    %sign3A_23 = arith.subi %sign3A_19, %sign3A_22 : i32
    %sign3A_24 = arith.constant 0 : i32
    %sign3A_25 = arith.cmpi sgt, %jit3A, %sign3A_24 : i32
    %sign3A_26 = arith.extui %sign3A_25 : i1 to i32
    %sign3A_27 = arith.constant 0 : i32
    %sign3A_28 = arith.cmpi slt, %jit3A, %sign3A_27 : i32
    %sign3A_29 = arith.extui %sign3A_28 : i1 to i32
    %sign3A_30 = arith.subi %sign3A_26, %sign3A_29 : i32
    %ne3A = arith.cmpi ne, %sign3A_23, %sign3A_30 : i32
    %rem3A = arith.remsi %arg1, %jit3A : i32
    %ne3A_31 = arith.constant 0 : i32
    %ne3A_32 = arith.cmpi ne, %rem3A, %ne3A_31 : i32
    %and3A = arith.andi %ne3A, %ne3A_32 : i1
    %sub3A = arith.constant 1 : i32
    %sub3A_33 = arith.subi %div3A, %sub3A : i32
    %select_n3A = arith.select %and3A, %sub3A_33, %div3A : i32
    %jit3A_34 = arith.constant 4 : i32
    %eq3A_35 = arith.constant 0 : i32
    %eq3A_36 = arith.cmpi eq, %jit3A_34, %eq3A_35 : i32
    %jit3A_37 = arith.constant 1 : i32
    %select_n3A_38 = arith.select %eq3A_36, %jit3A_37, %jit3A_34 : i32
    %rem3A_39 = arith.remsi %arg1, %select_n3A_38 : i32
    %ne3A_40 = arith.constant 0 : i32
    %ne3A_41 = arith.cmpi ne, %rem3A_39, %ne3A_40 : i32
    %lt3A_42 = arith.constant 0 : i32
    %lt3A_43 = arith.cmpi slt, %rem3A_39, %lt3A_42 : i32
    %lt3A_44 = arith.constant 0 : i32
    %lt3A_45 = arith.cmpi slt, %select_n3A_38, %lt3A_44 : i32
    %ne3A_46 = arith.xori %lt3A_43, %lt3A_45 : i1
    %and3A_47 = arith.andi %ne3A_46, %ne3A_41 : i1
    %add3A_48 = arith.addi %rem3A_39, %select_n3A_38 : i32
    %select_n3A_49 = arith.select %and3A_47, %add3A_48, %rem3A_39 : i32
    %mul3A_50 = arith.constant 53248 : i32
    %mul3A_51 = arith.muli %arg0, %mul3A_50 : i32
    %mul3A_52 = arith.constant 13312 : i32
    %mul3A_53 = arith.muli %select_n3A, %mul3A_52 : i32
    %add3A_54 = arith.addi %mul3A_51, %mul3A_53 : i32
    %scan3A_55 = arith.constant 0 : i32
    %scan3A_56 = arith.constant 0 : i32
    %scan3A_57 = arith.constant 832 : i32
    %scan3A_58 = arith.addi %scan3A_56, %scan3A_57 : i32
    %scan3A_59 = arith.constant 1 : i32
    %scan3A_60 = scf.for %scan3A_167 = %scan3A_56 to %scan3A_58 step %scan3A_59 iter_args(%scan3A_168 = %scan3A_55) -> (i32)  : i32 {
      %mul3A_169 = arith.constant 16 : i32
      %mul3A_170 = arith.muli %scan3A_167, %mul3A_169 : i32
      %swap3A = arith.index_cast %mul3A_170 : i32 to index
      %swap3A_171 = tpu.vector_load %arg8[%swap3A] {strides = array<i32>} : memref<13312xi32, #tpu.memory_space<vmem>>, vector<16xi32>,
      tpu.vector_store %arg8[%swap3A], %broadcast_in_dim3A_3 {strides = array<i32>} : memref<13312xi32, #tpu.memory_space<vmem>>, vector<16xi32>,
      %scan3A_172 = arith.constant 0 : i32
      scf.yield %scan3A_172 : i32
    }
    %scan3A_61 = arith.constant 832 : i32
    %mul3A_62 = arith.constant 10048 : i32
    %mul3A_63 = arith.muli %select_n3A_49, %mul3A_62 : i32
    "tpu.region"() ({
      %run_scoped3A = tpu.sem_alloc : memref<!tpu.dma_semaphore, #tpu.memory_space<semaphore_mem>>
      %dma_start3A = tpu.memref_slice %arg15[%mul3A_63] : memref<40192xi32, #tpu.memory_space<vmem_shared>> -> memref<10048xi32, #tpu.memory_space<vmem_shared>>
      %dma_start3A_167 = tpu.memref_slice %arg15[%mul3A_63] : memref<40192xi32, #tpu.memory_space<vmem_shared>> -> memref<10048xi32, #tpu.memory_space<vmem_shared>>
      tpu.enqueue_dma source(%dma_start3A_167 : memref<10048xi32, #tpu.memory_space<vmem_shared>>) target(%arg6 : memref<10048xi32, #tpu.memory_space<vmem>>) target_semaphore(%run_scoped3A : memref<!tpu.dma_semaphore, #tpu.memory_space<semaphore_mem>>)
      %dma_wait3A = tpu.memref_slice %arg15[%mul3A_63] : memref<40192xi32, #tpu.memory_space<vmem_shared>> -> memref<10048xi32, #tpu.memory_space<vmem_shared>>
      %dma_wait3A_168 = tpu.memref_slice %arg15[%mul3A_63] : memref<40192xi32, #tpu.memory_space<vmem_shared>> -> memref<10048xi32, #tpu.memory_space<vmem_shared>>
      tpu.wait_dma2 semaphore(%run_scoped3A : memref<!tpu.dma_semaphore, #tpu.memory_space<semaphore_mem>>) src(%dma_wait3A_168 : memref<10048xi32, #tpu.memory_space<vmem_shared>>) dst(%arg6 : memref<10048xi32, #tpu.memory_space<vmem>>)
      tpu.yield
    }) : () -> ()
    %scan3A_64 = arith.constant 0 : i32
    %scan3A_65 = arith.constant 0 : i32
    %scan3A_66 = arith.constant 157 : i32
    %scan3A_67 = arith.addi %scan3A_65, %scan3A_66 : i32
    %scan3A_68 = arith.constant 1 : i32
    %scan3A_69 = scf.for %scan3A_167 = %scan3A_65 to %scan3A_67 step %scan3A_68 iter_args(%scan3A_168 = %scan3A_64) -> (i32)  : i32 {
      %mul3A_169 = arith.constant 4 : i32
      %mul3A_170 = arith.muli %scan3A_167, %mul3A_169 : i32
      %add3A_171 = arith.constant 0 : i32
      %add3A_172 = arith.addi %mul3A_170, %add3A_171 : i32
      %mul3A_173 = arith.constant 16 : i32
      %mul3A_174 = arith.muli %add3A_172, %mul3A_173 : i32
      %get3A = arith.index_cast %mul3A_174 : i32 to index
      %get3A_175 = tpu.vector_load %arg6[%get3A] {strides = array<i32>} : memref<10048xi32, #tpu.memory_space<vmem>>, vector<16xi32>,
      %sub3A_176 = vector.broadcast %add3A_54 : i32 to vector<16xi32>
      %sub3A_177 = arith.subi %get3A_175, %sub3A_176 : vector<16xi32>
      %ge3A = arith.constant 0 : i32
      %ge3A_178 = vector.broadcast %ge3A : i32 to vector<16xi32>
      %ge3A_179 = arith.cmpi sge, %sub3A_177, %ge3A_178 : vector<16xi32>
      %lt3A_180 = arith.constant 13312 : i32
      %lt3A_181 = vector.broadcast %lt3A_180 : i32 to vector<16xi32>
      %lt3A_182 = arith.cmpi slt, %sub3A_177, %lt3A_181 : vector<16xi32>
      %and3A_183 = arith.andi %ge3A_179, %lt3A_182 : vector<16xi1>
      %jit3A_184 = arith.constant 0 : i32
      %broadcast_in_dim3A_185 = vector.broadcast %jit3A_184 : i32 to vector<16xi32>
      %select_n3A_186 = arith.select %and3A_183, %sub3A_177, %broadcast_in_dim3A_185 : vector<16xi1>, vector<16xi32>
      %mul3A_187 = arith.constant 10048 : i32
      %mul3A_188 = arith.muli %select_n3A_49, %mul3A_187 : i32
      %mul3A_189 = arith.constant 16 : i32
      %mul3A_190 = arith.muli %add3A_172, %mul3A_189 : i32
      %add3A_191 = arith.addi %mul3A_188, %mul3A_190 : i32
      %add3A_192 = vector.broadcast %add3A_191 : i32 to vector<16xi32>
      %add3A_193 = arith.addi %add3A_192, %iota3A : vector<16xi32>
      tpu.vector_store_idx %arg8[%select_n3A_186], %add3A_193 masked %and3A_183 : memref<13312xi32, #tpu.memory_space<vmem>>[vector<16xi32>], vector<16xi32>, vector<16xi1>
      %mul3A_194 = arith.constant 4 : i32
      %mul3A_195 = arith.muli %scan3A_167, %mul3A_194 : i32
      %add3A_196 = arith.constant 1 : i32
      %add3A_197 = arith.addi %mul3A_195, %add3A_196 : i32
      %mul3A_198 = arith.constant 16 : i32
      %mul3A_199 = arith.muli %add3A_197, %mul3A_198 : i32
      %get3A_200 = arith.index_cast %mul3A_199 : i32 to index
      %get3A_201 = tpu.vector_load %arg6[%get3A_200] {strides = array<i32>} : memref<10048xi32, #tpu.memory_space<vmem>>, vector<16xi32>,
      %sub3A_202 = vector.broadcast %add3A_54 : i32 to vector<16xi32>
      %sub3A_203 = arith.subi %get3A_201, %sub3A_202 : vector<16xi32>
      %ge3A_204 = arith.constant 0 : i32
      %ge3A_205 = vector.broadcast %ge3A_204 : i32 to vector<16xi32>
      %ge3A_206 = arith.cmpi sge, %sub3A_203, %ge3A_205 : vector<16xi32>
      %lt3A_207 = arith.constant 13312 : i32
      %lt3A_208 = vector.broadcast %lt3A_207 : i32 to vector<16xi32>
      %lt3A_209 = arith.cmpi slt, %sub3A_203, %lt3A_208 : vector<16xi32>
      %and3A_210 = arith.andi %ge3A_206, %lt3A_209 : vector<16xi1>
      %jit3A_211 = arith.constant 0 : i32
      %broadcast_in_dim3A_212 = vector.broadcast %jit3A_211 : i32 to vector<16xi32>
      %select_n3A_213 = arith.select %and3A_210, %sub3A_203, %broadcast_in_dim3A_212 : vector<16xi1>, vector<16xi32>
      %mul3A_214 = arith.constant 10048 : i32
      %mul3A_215 = arith.muli %select_n3A_49, %mul3A_214 : i32
      %mul3A_216 = arith.constant 16 : i32
      %mul3A_217 = arith.muli %add3A_197, %mul3A_216 : i32
      %add3A_218 = arith.addi %mul3A_215, %mul3A_217 : i32
      %add3A_219 = vector.broadcast %add3A_218 : i32 to vector<16xi32>
      %add3A_220 = arith.addi %add3A_219, %iota3A : vector<16xi32>
      tpu.vector_store_idx %arg8[%select_n3A_213], %add3A_220 masked %and3A_210 : memref<13312xi32, #tpu.memory_space<vmem>>[vector<16xi32>], vector<16xi32>, vector<16xi1>
      %mul3A_221 = arith.constant 4 : i32
      %mul3A_222 = arith.muli %scan3A_167, %mul3A_221 : i32
      %add3A_223 = arith.constant 2 : i32
      %add3A_224 = arith.addi %mul3A_222, %add3A_223 : i32
      %mul3A_225 = arith.constant 16 : i32
      %mul3A_226 = arith.muli %add3A_224, %mul3A_225 : i32
      %get3A_227 = arith.index_cast %mul3A_226 : i32 to index
      %get3A_228 = tpu.vector_load %arg6[%get3A_227] {strides = array<i32>} : memref<10048xi32, #tpu.memory_space<vmem>>, vector<16xi32>,
      %sub3A_229 = vector.broadcast %add3A_54 : i32 to vector<16xi32>
      %sub3A_230 = arith.subi %get3A_228, %sub3A_229 : vector<16xi32>
      %ge3A_231 = arith.constant 0 : i32
      %ge3A_232 = vector.broadcast %ge3A_231 : i32 to vector<16xi32>
      %ge3A_233 = arith.cmpi sge, %sub3A_230, %ge3A_232 : vector<16xi32>
      %lt3A_234 = arith.constant 13312 : i32
      %lt3A_235 = vector.broadcast %lt3A_234 : i32 to vector<16xi32>
      %lt3A_236 = arith.cmpi slt, %sub3A_230, %lt3A_235 : vector<16xi32>
      %and3A_237 = arith.andi %ge3A_233, %lt3A_236 : vector<16xi1>
      %jit3A_238 = arith.constant 0 : i32
      %broadcast_in_dim3A_239 = vector.broadcast %jit3A_238 : i32 to vector<16xi32>
      %select_n3A_240 = arith.select %and3A_237, %sub3A_230, %broadcast_in_dim3A_239 : vector<16xi1>, vector<16xi32>
      %mul3A_241 = arith.constant 10048 : i32
      %mul3A_242 = arith.muli %select_n3A_49, %mul3A_241 : i32
      %mul3A_243 = arith.constant 16 : i32
      %mul3A_244 = arith.muli %add3A_224, %mul3A_243 : i32
      %add3A_245 = arith.addi %mul3A_242, %mul3A_244 : i32
      %add3A_246 = vector.broadcast %add3A_245 : i32 to vector<16xi32>
      %add3A_247 = arith.addi %add3A_246, %iota3A : vector<16xi32>
      tpu.vector_store_idx %arg8[%select_n3A_240], %add3A_247 masked %and3A_237 : memref<13312xi32, #tpu.memory_space<vmem>>[vector<16xi32>], vector<16xi32>, vector<16xi1>
      %mul3A_248 = arith.constant 4 : i32
      %mul3A_249 = arith.muli %scan3A_167, %mul3A_248 : i32
      %add3A_250 = arith.constant 3 : i32
      %add3A_251 = arith.addi %mul3A_249, %add3A_250 : i32
      %mul3A_252 = arith.constant 16 : i32
      %mul3A_253 = arith.muli %add3A_251, %mul3A_252 : i32
      %get3A_254 = arith.index_cast %mul3A_253 : i32 to index
      %get3A_255 = tpu.vector_load %arg6[%get3A_254] {strides = array<i32>} : memref<10048xi32, #tpu.memory_space<vmem>>, vector<16xi32>,
      %sub3A_256 = vector.broadcast %add3A_54 : i32 to vector<16xi32>
      %sub3A_257 = arith.subi %get3A_255, %sub3A_256 : vector<16xi32>
      %ge3A_258 = arith.constant 0 : i32
      %ge3A_259 = vector.broadcast %ge3A_258 : i32 to vector<16xi32>
      %ge3A_260 = arith.cmpi sge, %sub3A_257, %ge3A_259 : vector<16xi32>
      %lt3A_261 = arith.constant 13312 : i32
      %lt3A_262 = vector.broadcast %lt3A_261 : i32 to vector<16xi32>
      %lt3A_263 = arith.cmpi slt, %sub3A_257, %lt3A_262 : vector<16xi32>
      %and3A_264 = arith.andi %ge3A_260, %lt3A_263 : vector<16xi1>
      %jit3A_265 = arith.constant 0 : i32
      %broadcast_in_dim3A_266 = vector.broadcast %jit3A_265 : i32 to vector<16xi32>
      %select_n3A_267 = arith.select %and3A_264, %sub3A_257, %broadcast_in_dim3A_266 : vector<16xi1>, vector<16xi32>
      %mul3A_268 = arith.constant 10048 : i32
      %mul3A_269 = arith.muli %select_n3A_49, %mul3A_268 : i32
      %mul3A_270 = arith.constant 16 : i32
      %mul3A_271 = arith.muli %add3A_251, %mul3A_270 : i32
      %add3A_272 = arith.addi %mul3A_269, %mul3A_271 : i32
      %add3A_273 = vector.broadcast %add3A_272 : i32 to vector<16xi32>
      %add3A_274 = arith.addi %add3A_273, %iota3A : vector<16xi32>
      tpu.vector_store_idx %arg8[%select_n3A_267], %add3A_274 masked %and3A_264 : memref<13312xi32, #tpu.memory_space<vmem>>[vector<16xi32>], vector<16xi32>, vector<16xi1>
      %scan3A_275 = arith.constant 0 : i32
      scf.yield %scan3A_275 : i32
    }
    %scan3A_70 = arith.constant 157 : i32
    "tpu.region"() ({
      %run_scoped3A = tpu.sem_alloc : memref<!tpu.dma_semaphore, #tpu.memory_space<semaphore_mem>>
      %dma_start3A = arith.constant 0 : i32
      %dma_start3A_167 = tpu.memref_slice %arg16[%arg1, %dma_start3A] : memref<16x13312xi32, #tpu.memory_space<vmem_shared>> -> memref<1x13312xi32, #tpu.memory_space<vmem_shared>>
      %dma_start3A_168 = tpu.memref_squeeze %dma_start3A_167 : memref<1x13312xi32, #tpu.memory_space<vmem_shared>> -> memref<13312xi32, #tpu.memory_space<vmem_shared>>
      %dma_start3A_169 = arith.constant 0 : i32
      %dma_start3A_170 = tpu.memref_slice %arg16[%arg1, %dma_start3A_169] : memref<16x13312xi32, #tpu.memory_space<vmem_shared>> -> memref<1x13312xi32, #tpu.memory_space<vmem_shared>>
      %dma_start3A_171 = tpu.memref_squeeze %dma_start3A_170 : memref<1x13312xi32, #tpu.memory_space<vmem_shared>> -> memref<13312xi32, #tpu.memory_space<vmem_shared>>
      tpu.enqueue_dma source(%arg8 : memref<13312xi32, #tpu.memory_space<vmem>>) target(%dma_start3A_171 : memref<13312xi32, #tpu.memory_space<vmem_shared>>) target_semaphore(%run_scoped3A : memref<!tpu.dma_semaphore, #tpu.memory_space<semaphore_mem>>)
      %dma_wait3A = arith.constant 0 : i32
      %dma_wait3A_172 = tpu.memref_slice %arg16[%arg1, %dma_wait3A] : memref<16x13312xi32, #tpu.memory_space<vmem_shared>> -> memref<1x13312xi32, #tpu.memory_space<vmem_shared>>
      %dma_wait3A_173 = tpu.memref_squeeze %dma_wait3A_172 : memref<1x13312xi32, #tpu.memory_space<vmem_shared>> -> memref<13312xi32, #tpu.memory_space<vmem_shared>>
      %dma_wait3A_174 = arith.constant 0 : i32
      %dma_wait3A_175 = tpu.memref_slice %arg16[%arg1, %dma_wait3A_174] : memref<16x13312xi32, #tpu.memory_space<vmem_shared>> -> memref<1x13312xi32, #tpu.memory_space<vmem_shared>>
      %dma_wait3A_176 = tpu.memref_squeeze %dma_wait3A_175 : memref<1x13312xi32, #tpu.memory_space<vmem_shared>> -> memref<13312xi32, #tpu.memory_space<vmem_shared>>
      tpu.wait_dma2 semaphore(%run_scoped3A : memref<!tpu.dma_semaphore, #tpu.memory_space<semaphore_mem>>) src(%arg8 : memref<13312xi32, #tpu.memory_space<vmem>>) dst(%dma_wait3A_176 : memref<13312xi32, #tpu.memory_space<vmem_shared>>)
      tpu.yield
    }) : () -> ()
    %barrier3A_71 = arith.constant 0 : index
    tpu.barrier barrier_id(%barrier3A_71)
    %mul3A_72 = arith.constant 3328 : i32
    %mul3A_73 = arith.muli %select_n3A_49, %mul3A_72 : i32
    %mul3A_74 = arith.constant 4 : i32
    %mul3A_75 = arith.muli %select_n3A, %mul3A_74 : i32
    "tpu.region"() ({
      %run_scoped3A = tpu.sem_alloc : memref<!tpu.dma_semaphore, #tpu.memory_space<semaphore_mem>>
      %dma_start3A = tpu.memref_slice %arg16[%mul3A_75, %mul3A_73] : memref<16x13312xi32, #tpu.memory_space<vmem_shared>> -> memref<1x3328xi32, #tpu.memory_space<vmem_shared>>
      %dma_start3A_167 = tpu.memref_squeeze %dma_start3A : memref<1x3328xi32, #tpu.memory_space<vmem_shared>> -> memref<3328xi32, #tpu.memory_space<vmem_shared>>
      %dma_start3A_168 = tpu.memref_slice %arg16[%mul3A_75, %mul3A_73] : memref<16x13312xi32, #tpu.memory_space<vmem_shared>> -> memref<1x3328xi32, #tpu.memory_space<vmem_shared>>
      %dma_start3A_169 = tpu.memref_squeeze %dma_start3A_168 : memref<1x3328xi32, #tpu.memory_space<vmem_shared>> -> memref<3328xi32, #tpu.memory_space<vmem_shared>>
      tpu.enqueue_dma source(%dma_start3A_169 : memref<3328xi32, #tpu.memory_space<vmem_shared>>) target(%arg7 : memref<3328xi32, #tpu.memory_space<vmem>>) target_semaphore(%run_scoped3A : memref<!tpu.dma_semaphore, #tpu.memory_space<semaphore_mem>>)
      %dma_wait3A = tpu.memref_slice %arg16[%mul3A_75, %mul3A_73] : memref<16x13312xi32, #tpu.memory_space<vmem_shared>> -> memref<1x3328xi32, #tpu.memory_space<vmem_shared>>
      %dma_wait3A_170 = tpu.memref_squeeze %dma_wait3A : memref<1x3328xi32, #tpu.memory_space<vmem_shared>> -> memref<3328xi32, #tpu.memory_space<vmem_shared>>
      %dma_wait3A_171 = tpu.memref_slice %arg16[%mul3A_75, %mul3A_73] : memref<16x13312xi32, #tpu.memory_space<vmem_shared>> -> memref<1x3328xi32, #tpu.memory_space<vmem_shared>>
      %dma_wait3A_172 = tpu.memref_squeeze %dma_wait3A_171 : memref<1x3328xi32, #tpu.memory_space<vmem_shared>> -> memref<3328xi32, #tpu.memory_space<vmem_shared>>
      tpu.wait_dma2 semaphore(%run_scoped3A : memref<!tpu.dma_semaphore, #tpu.memory_space<semaphore_mem>>) src(%dma_wait3A_172 : memref<3328xi32, #tpu.memory_space<vmem_shared>>) dst(%arg7 : memref<3328xi32, #tpu.memory_space<vmem>>)
      tpu.yield
    }) : () -> ()
    %mul3A_76 = arith.constant 4 : i32
    %mul3A_77 = arith.muli %select_n3A, %mul3A_76 : i32
    %add3A_78 = arith.constant 1 : i32
    %add3A_79 = arith.addi %mul3A_77, %add3A_78 : i32
    "tpu.region"() ({
      %run_scoped3A = tpu.sem_alloc : memref<!tpu.dma_semaphore, #tpu.memory_space<semaphore_mem>>
      %dma_start3A = tpu.memref_slice %arg16[%add3A_79, %mul3A_73] : memref<16x13312xi32, #tpu.memory_space<vmem_shared>> -> memref<1x3328xi32, #tpu.memory_space<vmem_shared>>
      %dma_start3A_167 = tpu.memref_squeeze %dma_start3A : memref<1x3328xi32, #tpu.memory_space<vmem_shared>> -> memref<3328xi32, #tpu.memory_space<vmem_shared>>
      %dma_start3A_168 = tpu.memref_slice %arg16[%add3A_79, %mul3A_73] : memref<16x13312xi32, #tpu.memory_space<vmem_shared>> -> memref<1x3328xi32, #tpu.memory_space<vmem_shared>>
      %dma_start3A_169 = tpu.memref_squeeze %dma_start3A_168 : memref<1x3328xi32, #tpu.memory_space<vmem_shared>> -> memref<3328xi32, #tpu.memory_space<vmem_shared>>
      tpu.enqueue_dma source(%dma_start3A_169 : memref<3328xi32, #tpu.memory_space<vmem_shared>>) target(%arg9 : memref<3328xi32, #tpu.memory_space<vmem>>) target_semaphore(%run_scoped3A : memref<!tpu.dma_semaphore, #tpu.memory_space<semaphore_mem>>)
      %dma_wait3A = tpu.memref_slice %arg16[%add3A_79, %mul3A_73] : memref<16x13312xi32, #tpu.memory_space<vmem_shared>> -> memref<1x3328xi32, #tpu.memory_space<vmem_shared>>
      %dma_wait3A_170 = tpu.memref_squeeze %dma_wait3A : memref<1x3328xi32, #tpu.memory_space<vmem_shared>> -> memref<3328xi32, #tpu.memory_space<vmem_shared>>
      %dma_wait3A_171 = tpu.memref_slice %arg16[%add3A_79, %mul3A_73] : memref<16x13312xi32, #tpu.memory_space<vmem_shared>> -> memref<1x3328xi32, #tpu.memory_space<vmem_shared>>
      %dma_wait3A_172 = tpu.memref_squeeze %dma_wait3A_171 : memref<1x3328xi32, #tpu.memory_space<vmem_shared>> -> memref<3328xi32, #tpu.memory_space<vmem_shared>>
      tpu.wait_dma2 semaphore(%run_scoped3A : memref<!tpu.dma_semaphore, #tpu.memory_space<semaphore_mem>>) src(%dma_wait3A_172 : memref<3328xi32, #tpu.memory_space<vmem_shared>>) dst(%arg9 : memref<3328xi32, #tpu.memory_space<vmem>>)
      tpu.yield
    }) : () -> ()
    %scan3A_80 = arith.constant 0 : i32
    %scan3A_81 = arith.constant 0 : i32
    %scan3A_82 = arith.constant 208 : i32
    %scan3A_83 = arith.addi %scan3A_81, %scan3A_82 : i32
    %scan3A_84 = arith.constant 1 : i32
    %scan3A_85 = scf.for %scan3A_167 = %scan3A_81 to %scan3A_83 step %scan3A_84 iter_args(%scan3A_168 = %scan3A_80) -> (i32)  : i32 {
      %mul3A_169 = arith.constant 16 : i32
      %mul3A_170 = arith.muli %scan3A_167, %mul3A_169 : i32
      %get3A = arith.index_cast %mul3A_170 : i32 to index
      %get3A_171 = tpu.vector_load %arg7[%get3A] {strides = array<i32>} : memref<3328xi32, #tpu.memory_space<vmem>>, vector<16xi32>,
      %mul3A_172 = arith.constant 16 : i32
      %mul3A_173 = arith.muli %scan3A_167, %mul3A_172 : i32
      %get3A_174 = arith.index_cast %mul3A_173 : i32 to index
      %get3A_175 = tpu.vector_load %arg9[%get3A_174] {strides = array<i32>} : memref<3328xi32, #tpu.memory_space<vmem>>, vector<16xi32>,
      %max3A = arith.maxsi %get3A_171, %get3A_175 : vector<16xi32>
      %mul3A_176 = arith.constant 16 : i32
      %mul3A_177 = arith.muli %scan3A_167, %mul3A_176 : i32
      %swap3A = arith.index_cast %mul3A_177 : i32 to index
      %swap3A_178 = tpu.vector_load %arg7[%swap3A] {strides = array<i32>} : memref<3328xi32, #tpu.memory_space<vmem>>, vector<16xi32>,
      tpu.vector_store %arg7[%swap3A], %max3A {strides = array<i32>} : memref<3328xi32, #tpu.memory_space<vmem>>, vector<16xi32>,
      %scan3A_179 = arith.constant 0 : i32
      scf.yield %scan3A_179 : i32
    }
    %scan3A_86 = arith.constant 208 : i32
    %mul3A_87 = arith.constant 4 : i32
    %mul3A_88 = arith.muli %select_n3A, %mul3A_87 : i32
    %add3A_89 = arith.constant 2 : i32
    %add3A_90 = arith.addi %mul3A_88, %add3A_89 : i32
    "tpu.region"() ({
      %run_scoped3A = tpu.sem_alloc : memref<!tpu.dma_semaphore, #tpu.memory_space<semaphore_mem>>
      %dma_start3A = tpu.memref_slice %arg16[%add3A_90, %mul3A_73] : memref<16x13312xi32, #tpu.memory_space<vmem_shared>> -> memref<1x3328xi32, #tpu.memory_space<vmem_shared>>
      %dma_start3A_167 = tpu.memref_squeeze %dma_start3A : memref<1x3328xi32, #tpu.memory_space<vmem_shared>> -> memref<3328xi32, #tpu.memory_space<vmem_shared>>
      %dma_start3A_168 = tpu.memref_slice %arg16[%add3A_90, %mul3A_73] : memref<16x13312xi32, #tpu.memory_space<vmem_shared>> -> memref<1x3328xi32, #tpu.memory_space<vmem_shared>>
      %dma_start3A_169 = tpu.memref_squeeze %dma_start3A_168 : memref<1x3328xi32, #tpu.memory_space<vmem_shared>> -> memref<3328xi32, #tpu.memory_space<vmem_shared>>
      tpu.enqueue_dma source(%dma_start3A_169 : memref<3328xi32, #tpu.memory_space<vmem_shared>>) target(%arg9 : memref<3328xi32, #tpu.memory_space<vmem>>) target_semaphore(%run_scoped3A : memref<!tpu.dma_semaphore, #tpu.memory_space<semaphore_mem>>)
      %dma_wait3A = tpu.memref_slice %arg16[%add3A_90, %mul3A_73] : memref<16x13312xi32, #tpu.memory_space<vmem_shared>> -> memref<1x3328xi32, #tpu.memory_space<vmem_shared>>
      %dma_wait3A_170 = tpu.memref_squeeze %dma_wait3A : memref<1x3328xi32, #tpu.memory_space<vmem_shared>> -> memref<3328xi32, #tpu.memory_space<vmem_shared>>
      %dma_wait3A_171 = tpu.memref_slice %arg16[%add3A_90, %mul3A_73] : memref<16x13312xi32, #tpu.memory_space<vmem_shared>> -> memref<1x3328xi32, #tpu.memory_space<vmem_shared>>
      %dma_wait3A_172 = tpu.memref_squeeze %dma_wait3A_171 : memref<1x3328xi32, #tpu.memory_space<vmem_shared>> -> memref<3328xi32, #tpu.memory_space<vmem_shared>>
      tpu.wait_dma2 semaphore(%run_scoped3A : memref<!tpu.dma_semaphore, #tpu.memory_space<semaphore_mem>>) src(%dma_wait3A_172 : memref<3328xi32, #tpu.memory_space<vmem_shared>>) dst(%arg9 : memref<3328xi32, #tpu.memory_space<vmem>>)
      tpu.yield
    }) : () -> ()
    %scan3A_91 = arith.constant 0 : i32
    %scan3A_92 = arith.constant 0 : i32
    %scan3A_93 = arith.constant 208 : i32
    %scan3A_94 = arith.addi %scan3A_92, %scan3A_93 : i32
    %scan3A_95 = arith.constant 1 : i32
    %scan3A_96 = scf.for %scan3A_167 = %scan3A_92 to %scan3A_94 step %scan3A_95 iter_args(%scan3A_168 = %scan3A_91) -> (i32)  : i32 {
      %mul3A_169 = arith.constant 16 : i32
      %mul3A_170 = arith.muli %scan3A_167, %mul3A_169 : i32
      %get3A = arith.index_cast %mul3A_170 : i32 to index
      %get3A_171 = tpu.vector_load %arg7[%get3A] {strides = array<i32>} : memref<3328xi32, #tpu.memory_space<vmem>>, vector<16xi32>,
      %mul3A_172 = arith.constant 16 : i32
      %mul3A_173 = arith.muli %scan3A_167, %mul3A_172 : i32
      %get3A_174 = arith.index_cast %mul3A_173 : i32 to index
      %get3A_175 = tpu.vector_load %arg9[%get3A_174] {strides = array<i32>} : memref<3328xi32, #tpu.memory_space<vmem>>, vector<16xi32>,
      %max3A = arith.maxsi %get3A_171, %get3A_175 : vector<16xi32>
      %mul3A_176 = arith.constant 16 : i32
      %mul3A_177 = arith.muli %scan3A_167, %mul3A_176 : i32
      %swap3A = arith.index_cast %mul3A_177 : i32 to index
      %swap3A_178 = tpu.vector_load %arg7[%swap3A] {strides = array<i32>} : memref<3328xi32, #tpu.memory_space<vmem>>, vector<16xi32>,
      tpu.vector_store %arg7[%swap3A], %max3A {strides = array<i32>} : memref<3328xi32, #tpu.memory_space<vmem>>, vector<16xi32>,
      %scan3A_179 = arith.constant 0 : i32
      scf.yield %scan3A_179 : i32
    }
    %scan3A_97 = arith.constant 208 : i32
    %mul3A_98 = arith.constant 4 : i32
    %mul3A_99 = arith.muli %select_n3A, %mul3A_98 : i32
    %add3A_100 = arith.constant 3 : i32
    %add3A_101 = arith.addi %mul3A_99, %add3A_100 : i32
    "tpu.region"() ({
      %run_scoped3A = tpu.sem_alloc : memref<!tpu.dma_semaphore, #tpu.memory_space<semaphore_mem>>
      %dma_start3A = tpu.memref_slice %arg16[%add3A_101, %mul3A_73] : memref<16x13312xi32, #tpu.memory_space<vmem_shared>> -> memref<1x3328xi32, #tpu.memory_space<vmem_shared>>
      %dma_start3A_167 = tpu.memref_squeeze %dma_start3A : memref<1x3328xi32, #tpu.memory_space<vmem_shared>> -> memref<3328xi32, #tpu.memory_space<vmem_shared>>
      %dma_start3A_168 = tpu.memref_slice %arg16[%add3A_101, %mul3A_73] : memref<16x13312xi32, #tpu.memory_space<vmem_shared>> -> memref<1x3328xi32, #tpu.memory_space<vmem_shared>>
      %dma_start3A_169 = tpu.memref_squeeze %dma_start3A_168 : memref<1x3328xi32, #tpu.memory_space<vmem_shared>> -> memref<3328xi32, #tpu.memory_space<vmem_shared>>
      tpu.enqueue_dma source(%dma_start3A_169 : memref<3328xi32, #tpu.memory_space<vmem_shared>>) target(%arg9 : memref<3328xi32, #tpu.memory_space<vmem>>) target_semaphore(%run_scoped3A : memref<!tpu.dma_semaphore, #tpu.memory_space<semaphore_mem>>)
      %dma_wait3A = tpu.memref_slice %arg16[%add3A_101, %mul3A_73] : memref<16x13312xi32, #tpu.memory_space<vmem_shared>> -> memref<1x3328xi32, #tpu.memory_space<vmem_shared>>
      %dma_wait3A_170 = tpu.memref_squeeze %dma_wait3A : memref<1x3328xi32, #tpu.memory_space<vmem_shared>> -> memref<3328xi32, #tpu.memory_space<vmem_shared>>
      %dma_wait3A_171 = tpu.memref_slice %arg16[%add3A_101, %mul3A_73] : memref<16x13312xi32, #tpu.memory_space<vmem_shared>> -> memref<1x3328xi32, #tpu.memory_space<vmem_shared>>
      %dma_wait3A_172 = tpu.memref_squeeze %dma_wait3A_171 : memref<1x3328xi32, #tpu.memory_space<vmem_shared>> -> memref<3328xi32, #tpu.memory_space<vmem_shared>>
      tpu.wait_dma2 semaphore(%run_scoped3A : memref<!tpu.dma_semaphore, #tpu.memory_space<semaphore_mem>>) src(%dma_wait3A_172 : memref<3328xi32, #tpu.memory_space<vmem_shared>>) dst(%arg9 : memref<3328xi32, #tpu.memory_space<vmem>>)
      tpu.yield
    }) : () -> ()
    %scan3A_102 = arith.constant 0 : i32
    %scan3A_103 = arith.constant 0 : i32
    %scan3A_104 = arith.constant 208 : i32
    %scan3A_105 = arith.addi %scan3A_103, %scan3A_104 : i32
    %scan3A_106 = arith.constant 1 : i32
    %scan3A_107 = scf.for %scan3A_167 = %scan3A_103 to %scan3A_105 step %scan3A_106 iter_args(%scan3A_168 = %scan3A_102) -> (i32)  : i32 {
      %mul3A_169 = arith.constant 16 : i32
      %mul3A_170 = arith.muli %scan3A_167, %mul3A_169 : i32
      %get3A = arith.index_cast %mul3A_170 : i32 to index
      %get3A_171 = tpu.vector_load %arg7[%get3A] {strides = array<i32>} : memref<3328xi32, #tpu.memory_space<vmem>>, vector<16xi32>,
      %mul3A_172 = arith.constant 16 : i32
      %mul3A_173 = arith.muli %scan3A_167, %mul3A_172 : i32
      %get3A_174 = arith.index_cast %mul3A_173 : i32 to index
      %get3A_175 = tpu.vector_load %arg9[%get3A_174] {strides = array<i32>} : memref<3328xi32, #tpu.memory_space<vmem>>, vector<16xi32>,
      %max3A = arith.maxsi %get3A_171, %get3A_175 : vector<16xi32>
      %mul3A_176 = arith.constant 16 : i32
      %mul3A_177 = arith.muli %scan3A_167, %mul3A_176 : i32
      %swap3A = arith.index_cast %mul3A_177 : i32 to index
      %swap3A_178 = tpu.vector_load %arg7[%swap3A] {strides = array<i32>} : memref<3328xi32, #tpu.memory_space<vmem>>, vector<16xi32>,
      tpu.vector_store %arg7[%swap3A], %max3A {strides = array<i32>} : memref<3328xi32, #tpu.memory_space<vmem>>, vector<16xi32>,
      %scan3A_179 = arith.constant 0 : i32
      scf.yield %scan3A_179 : i32
    }
    %scan3A_108 = arith.constant 208 : i32
    "tpu.region"() ({
      %run_scoped3A = tpu.sem_alloc : memref<!tpu.dma_semaphore, #tpu.memory_space<semaphore_mem>>
      %dma_start3A = tpu.memref_slice %arg5[%mul3A_2] : memref<106496xi32, #tpu.memory_space<hbm>> -> memref<3328xi32, #tpu.memory_space<hbm>>
      %dma_start3A_167 = tpu.memref_slice %arg5[%mul3A_2] : memref<106496xi32, #tpu.memory_space<hbm>> -> memref<3328xi32, #tpu.memory_space<hbm>>
      tpu.enqueue_dma source(%arg7 : memref<3328xi32, #tpu.memory_space<vmem>>) target(%dma_start3A_167 : memref<3328xi32, #tpu.memory_space<hbm>>) target_semaphore(%run_scoped3A : memref<!tpu.dma_semaphore, #tpu.memory_space<semaphore_mem>>)
      %dma_wait3A = tpu.memref_slice %arg5[%mul3A_2] : memref<106496xi32, #tpu.memory_space<hbm>> -> memref<3328xi32, #tpu.memory_space<hbm>>
      %dma_wait3A_168 = tpu.memref_slice %arg5[%mul3A_2] : memref<106496xi32, #tpu.memory_space<hbm>> -> memref<3328xi32, #tpu.memory_space<hbm>>
      tpu.wait_dma2 semaphore(%run_scoped3A : memref<!tpu.dma_semaphore, #tpu.memory_space<semaphore_mem>>) src(%arg7 : memref<3328xi32, #tpu.memory_space<vmem>>) dst(%dma_wait3A_168 : memref<3328xi32, #tpu.memory_space<hbm>>)
      tpu.yield
    }) : () -> ()
    %scan3A_109 = arith.constant 0 : i32
    %scan3A_110 = arith.constant 0 : i32
    %scan3A_111 = arith.constant 216 : i32
    %scan3A_112 = arith.addi %scan3A_110, %scan3A_111 : i32
    %scan3A_113 = arith.constant 1 : i32
    %scan3A_114 = scf.for %scan3A_167 = %scan3A_110 to %scan3A_112 step %scan3A_113 iter_args(%scan3A_168 = %scan3A_109) -> (i32)  : i32 {
      %mul3A_169 = arith.constant 16 : i32
      %mul3A_170 = arith.muli %scan3A_167, %mul3A_169 : i32
      %add3A_171 = vector.broadcast %mul3A_170 : i32 to vector<16xi32>
      %add3A_172 = arith.addi %add3A_171, %iota3A : vector<16xi32>
      %mul3A_173 = arith.constant 128 : i32
      %mul3A_174 = arith.muli %add3A, %mul3A_173 : i32
      %add3A_175 = vector.broadcast %mul3A_174 : i32 to vector<16xi32>
      %add3A_176 = arith.addi %add3A_172, %add3A_175 : vector<16xi32>
      %and3A_177 = arith.constant 16383 : i32
      %and3A_178 = vector.broadcast %and3A_177 : i32 to vector<16xi32>
      %and3A_179 = arith.andi %add3A_176, %and3A_178 : vector<16xi32>
      %mul3A_180 = arith.constant 16 : i32
      %mul3A_181 = arith.muli %scan3A_167, %mul3A_180 : i32
      %swap3A = arith.index_cast %mul3A_181 : i32 to index
      %swap3A_182 = tpu.vector_load %arg12[%swap3A] {strides = array<i32>} : memref<3456xi32, #tpu.memory_space<vmem>>, vector<16xi32>,
      tpu.vector_store %arg12[%swap3A], %and3A_179 {strides = array<i32>} : memref<3456xi32, #tpu.memory_space<vmem>>, vector<16xi32>,
      %mul3A_183 = arith.constant 4 : i32
      %mul3A_184 = arith.muli %add3A, %mul3A_183 : i32
      %add3A_185 = vector.broadcast %mul3A_184 : i32 to vector<16xi32>
      %add3A_186 = arith.addi %add3A_172, %add3A_185 : vector<16xi32>
      %and3A_187 = arith.constant 127 : i32
      %and3A_188 = vector.broadcast %and3A_187 : i32 to vector<16xi32>
      %and3A_189 = arith.andi %add3A_186, %and3A_188 : vector<16xi32>
      %add3A_190 = arith.constant 106496 : i32
      %add3A_191 = vector.broadcast %add3A_190 : i32 to vector<16xi32>
      %add3A_192 = arith.addi %add3A_191, %and3A_189 : vector<16xi32>
      %mul3A_193 = arith.constant 16 : i32
      %mul3A_194 = arith.muli %scan3A_167, %mul3A_193 : i32
      %swap3A_195 = arith.index_cast %mul3A_194 : i32 to index
      %swap3A_196 = tpu.vector_load %arg13[%swap3A_195] {strides = array<i32>} : memref<3456xi32, #tpu.memory_space<vmem>>, vector<16xi32>,
      tpu.vector_store %arg13[%swap3A_195], %add3A_192 {strides = array<i32>} : memref<3456xi32, #tpu.memory_space<vmem>>, vector<16xi32>,
      %scan3A_197 = arith.constant 0 : i32
      scf.yield %scan3A_197 : i32
    }
    %scan3A_115 = arith.constant 216 : i32
    %scan3A_116 = arith.constant 0 : i32
    %scan3A_117 = arith.constant 0 : i32
    %scan3A_118 = arith.constant 208 : i32
    %scan3A_119 = arith.addi %scan3A_117, %scan3A_118 : i32
    %scan3A_120 = arith.constant 1 : i32
    %scan3A_121 = scf.for %scan3A_167 = %scan3A_117 to %scan3A_119 step %scan3A_120 iter_args(%scan3A_168 = %scan3A_116) -> (i32)  : i32 {
      %mul3A_169 = arith.constant 16 : i32
      %mul3A_170 = arith.muli %scan3A_167, %mul3A_169 : i32
      %get3A = arith.index_cast %mul3A_170 : i32 to index
      %get3A_171 = tpu.vector_load %arg7[%get3A] {strides = array<i32>} : memref<3328xi32, #tpu.memory_space<vmem>>, vector<16xi32>,
      %ge3A = arith.constant 0 : i32
      %ge3A_172 = vector.broadcast %ge3A : i32 to vector<16xi32>
      %ge3A_173 = arith.cmpi sge, %get3A_171, %ge3A_172 : vector<16xi32>
      %swap3A = arith.index_cast %scan3A_168 : i32 to index
      %swap3A_174 = tpu.vector_load %arg12[%swap3A] masked %ge3A_173 {strides = array<i32>} : memref<3456xi32, #tpu.memory_space<vmem>>, vector<16xi32>, vector<16xi1>
      tpu.vector_store %arg12[%swap3A], %get3A_171 masked %ge3A_173 {strides = array<i32>} : memref<3456xi32, #tpu.memory_space<vmem>>, vector<16xi32>, vector<16xi1>
      %mul3A_175 = arith.constant 16 : i32
      %mul3A_176 = arith.muli %scan3A_167, %mul3A_175 : i32
      %add3A_177 = arith.addi %mul3A_2, %mul3A_176 : i32
      %add3A_178 = vector.broadcast %add3A_177 : i32 to vector<16xi32>
      %add3A_179 = arith.addi %add3A_178, %iota3A : vector<16xi32>
      %swap3A_180 = arith.index_cast %scan3A_168 : i32 to index
      %swap3A_181 = tpu.vector_load %arg13[%swap3A_180] masked %ge3A_173 {strides = array<i32>} : memref<3456xi32, #tpu.memory_space<vmem>>, vector<16xi32>, vector<16xi1>
      tpu.vector_store %arg13[%swap3A_180], %add3A_179 masked %ge3A_173 {strides = array<i32>} : memref<3456xi32, #tpu.memory_space<vmem>>, vector<16xi32>, vector<16xi1>
      %convert_element_type3A_182 = arith.extui %ge3A_173 : vector<16xi1> to vector<16xi32>
      %reduce_sum3A = arith.constant true
      %reduce_sum3A_183 = vector.broadcast %reduce_sum3A : i1 to vector<16xi1>
      %reduce_sum3A_184 = tpu.scan <sum>, %convert_element_type3A_182 masked %reduce_sum3A_183 : vector<16xi32>, vector<16xi1> -> vector<16xi32>
      %reduce_sum3A_185 = vector.extract %reduce_sum3A_184[15] : i32 from vector<16xi32>
      %add3A_186 = arith.addi %scan3A_168, %reduce_sum3A_185 : i32
      scf.yield %add3A_186 : i32
    }
    %scan3A_122 = arith.constant 208 : i32
    %scan3A_123 = arith.constant 0 : i32
    %scan3A_124 = arith.constant 0 : i32
    %scan3A_125 = arith.constant 27 : i32
    %scan3A_126 = arith.addi %scan3A_124, %scan3A_125 : i32
    %scan3A_127 = arith.constant 1 : i32
    %scan3A_128 = scf.for %scan3A_167 = %scan3A_124 to %scan3A_126 step %scan3A_127 iter_args(%scan3A_168 = %scan3A_123) -> (i32)  : i32 {
      %scan3A_169 = arith.constant 0 : i32
      %scan3A_170 = arith.constant 0 : i32
      %scan3A_171 = arith.constant 8 : i32
      %scan3A_172 = arith.addi %scan3A_170, %scan3A_171 : i32
      %scan3A_173 = arith.constant 1 : i32
      %scan3A_174 = scf.for %scan3A_177 = %scan3A_170 to %scan3A_172 step %scan3A_173 iter_args(%scan3A_178 = %scan3A_169) -> (i32)  : i32 {
        %mul3A_179 = arith.constant 128 : i32
        %mul3A_180 = arith.muli %scan3A_167, %mul3A_179 : i32
        %mul3A_181 = arith.constant 16 : i32
        %mul3A_182 = arith.muli %scan3A_177, %mul3A_181 : i32
        %add3A_183 = arith.addi %mul3A_180, %mul3A_182 : i32
        %get3A = arith.index_cast %add3A_183 : i32 to index
        %get3A_184 = tpu.vector_load %arg13[%get3A] {strides = array<i32>} : memref<3456xi32, #tpu.memory_space<vmem>>, vector<16xi32>,
        %mul3A_185 = arith.constant 16 : i32
        %mul3A_186 = arith.muli %scan3A_177, %mul3A_185 : i32
        %swap3A = arith.index_cast %scan3A_167 : i32 to index
        %swap3A_187 = arith.index_cast %mul3A_186 : i32 to index
        %swap3A_188 = tpu.vector_load %arg14[%swap3A, %swap3A_187] {strides = array<i32>} : memref<27x128xi32, #tpu.memory_space<vmem>>, vector<16xi32>,
        tpu.vector_store %arg14[%swap3A, %swap3A_187], %get3A_184 {strides = array<i32>} : memref<27x128xi32, #tpu.memory_space<vmem>>, vector<16xi32>,
        %scan3A_189 = arith.constant 0 : i32
        scf.yield %scan3A_189 : i32
      }
      %scan3A_175 = arith.constant 8 : i32
      %scan3A_176 = arith.constant 0 : i32
      scf.yield %scan3A_176 : i32
    }
    %scan3A_129 = arith.constant 27 : i32
    %add3A_130 = arith.constant 383 : i32
    %add3A_131 = arith.addi %scan3A_121, %add3A_130 : i32
    %jit3A_132 = arith.constant 384 : i32
    %div3A_133 = arith.divsi %add3A_131, %jit3A_132 : i32
    %sign3A_134 = arith.constant 0 : i32
    %sign3A_135 = arith.cmpi sgt, %add3A_131, %sign3A_134 : i32
    %sign3A_136 = arith.extui %sign3A_135 : i1 to i32
    %sign3A_137 = arith.constant 0 : i32
    %sign3A_138 = arith.cmpi slt, %add3A_131, %sign3A_137 : i32
    %sign3A_139 = arith.extui %sign3A_138 : i1 to i32
    %sign3A_140 = arith.subi %sign3A_136, %sign3A_139 : i32
    %sign3A_141 = arith.constant 0 : i32
    %sign3A_142 = arith.cmpi sgt, %jit3A_132, %sign3A_141 : i32
    %sign3A_143 = arith.extui %sign3A_142 : i1 to i32
    %sign3A_144 = arith.constant 0 : i32
    %sign3A_145 = arith.cmpi slt, %jit3A_132, %sign3A_144 : i32
    %sign3A_146 = arith.extui %sign3A_145 : i1 to i32
    %sign3A_147 = arith.subi %sign3A_143, %sign3A_146 : i32
    %ne3A_148 = arith.cmpi ne, %sign3A_140, %sign3A_147 : i32
    %rem3A_149 = arith.remsi %add3A_131, %jit3A_132 : i32
    %ne3A_150 = arith.constant 0 : i32
    %ne3A_151 = arith.cmpi ne, %rem3A_149, %ne3A_150 : i32
    %and3A_152 = arith.andi %ne3A_148, %ne3A_151 : i1
    %sub3A_153 = arith.constant 1 : i32
    %sub3A_154 = arith.subi %div3A_133, %sub3A_153 : i32
    %select_n3A_155 = arith.select %and3A_152, %sub3A_154, %div3A_133 : i32
    %while3A = arith.constant 0 : i32
    %while3A_156 = arith.constant 0 : i32
    %while3A_157 = arith.subi %select_n3A_155, %while3A : i32
    %while3A_158 = arith.addi %while3A, %while3A_157 : i32
    %while3A_159 = arith.constant 1 : i32
    %while3A_160 = arith.divsi %while3A_157, %while3A_159 : i32
    %while3A_161 = arith.muli %while3A_160, %while3A_159 : i32
    %while3A_162 = arith.addi %while3A, %while3A_161 : i32
    %while3A_163 = arith.constant 1 : i32
    %while3A_164 = scf.for %while3A_167 = %while3A to %while3A_162 step %while3A_163 iter_args(%while3A_168 = %while3A_156) -> (i32)  : i32 {
      %mul3A_169 = arith.constant 384 : i32
      %mul3A_170 = arith.muli %while3A_167, %mul3A_169 : i32
      %add3A_171 = arith.constant 0 : i32
      %add3A_172 = arith.addi %mul3A_170, %add3A_171 : i32
      %dma_start3A = arith.constant 0 : i32
      %dma_start3A_173 = arith.constant 0 : i32
      %dma_start3A_174 = tpu.memref_slice %arg11[%dma_start3A, %dma_start3A_173] : memref<384x128xf32, #tpu.memory_space<vmem>> -> memref<128x128xf32, #tpu.memory_space<vmem>>
      %dma_start3A_175 = tpu.memref_slice %arg12[%add3A_172] : memref<3456xi32, #tpu.memory_space<vmem>> -> memref<128xi32, #tpu.memory_space<vmem>>
      %dma_start3A_176 = arith.constant 0 : i32
      %dma_start3A_177 = arith.constant 0 : i32
      %dma_start3A_178 = tpu.memref_slice %arg3[%dma_start3A_176, %dma_start3A_177] : memref<40000x128xf32, #tpu.memory_space<hbm>> -> memref<40000x128xf32, #tpu.memory_space<hbm>>
      tpu.enqueue_indirect_dma source(%dma_start3A_178 : memref<40000x128xf32, #tpu.memory_space<hbm>>) target(%dma_start3A_174 : memref<128x128xf32, #tpu.memory_space<vmem>>) offsets(%dma_start3A_175 : memref<128xi32, #tpu.memory_space<vmem>>) semaphore(%arg17 : memref<!tpu.dma_semaphore, #tpu.memory_space<semaphore_mem>>)
      %add3A_179 = arith.constant 128 : i32
      %add3A_180 = arith.addi %mul3A_170, %add3A_179 : i32
      %dma_start3A_181 = arith.constant 128 : i32
      %dma_start3A_182 = arith.constant 0 : i32
      %dma_start3A_183 = tpu.memref_slice %arg11[%dma_start3A_181, %dma_start3A_182] : memref<384x128xf32, #tpu.memory_space<vmem>> -> memref<128x128xf32, #tpu.memory_space<vmem>>
      %dma_start3A_184 = tpu.memref_slice %arg12[%add3A_180] : memref<3456xi32, #tpu.memory_space<vmem>> -> memref<128xi32, #tpu.memory_space<vmem>>
      %dma_start3A_185 = arith.constant 0 : i32
      %dma_start3A_186 = arith.constant 0 : i32
      %dma_start3A_187 = tpu.memref_slice %arg3[%dma_start3A_185, %dma_start3A_186] : memref<40000x128xf32, #tpu.memory_space<hbm>> -> memref<40000x128xf32, #tpu.memory_space<hbm>>
      tpu.enqueue_indirect_dma source(%dma_start3A_187 : memref<40000x128xf32, #tpu.memory_space<hbm>>) target(%dma_start3A_183 : memref<128x128xf32, #tpu.memory_space<vmem>>) offsets(%dma_start3A_184 : memref<128xi32, #tpu.memory_space<vmem>>) semaphore(%arg17 : memref<!tpu.dma_semaphore, #tpu.memory_space<semaphore_mem>>)
      %add3A_188 = arith.constant 256 : i32
      %add3A_189 = arith.addi %mul3A_170, %add3A_188 : i32
      %dma_start3A_190 = arith.constant 256 : i32
      %dma_start3A_191 = arith.constant 0 : i32
      %dma_start3A_192 = tpu.memref_slice %arg11[%dma_start3A_190, %dma_start3A_191] : memref<384x128xf32, #tpu.memory_space<vmem>> -> memref<128x128xf32, #tpu.memory_space<vmem>>
      %dma_start3A_193 = tpu.memref_slice %arg12[%add3A_189] : memref<3456xi32, #tpu.memory_space<vmem>> -> memref<128xi32, #tpu.memory_space<vmem>>
      %dma_start3A_194 = arith.constant 0 : i32
      %dma_start3A_195 = arith.constant 0 : i32
      %dma_start3A_196 = tpu.memref_slice %arg3[%dma_start3A_194, %dma_start3A_195] : memref<40000x128xf32, #tpu.memory_space<hbm>> -> memref<40000x128xf32, #tpu.memory_space<hbm>>
      tpu.enqueue_indirect_dma source(%dma_start3A_196 : memref<40000x128xf32, #tpu.memory_space<hbm>>) target(%dma_start3A_192 : memref<128x128xf32, #tpu.memory_space<vmem>>) offsets(%dma_start3A_193 : memref<128xi32, #tpu.memory_space<vmem>>) semaphore(%arg17 : memref<!tpu.dma_semaphore, #tpu.memory_space<semaphore_mem>>)
      %dma_wait3A = arith.constant 0 : i32
      %dma_wait3A_197 = arith.constant 0 : i32
      %dma_wait3A_198 = tpu.memref_slice %arg11[%dma_wait3A, %dma_wait3A_197] : memref<384x128xf32, #tpu.memory_space<vmem>> -> memref<128x128xf32, #tpu.memory_space<vmem>>
      %dma_wait3A_199 = tpu.memref_slice %arg12[%add3A_172] : memref<3456xi32, #tpu.memory_space<vmem>> -> memref<128xi32, #tpu.memory_space<vmem>>
      %dma_wait3A_200 = arith.constant 0 : i32
      %dma_wait3A_201 = arith.constant 0 : i32
      %dma_wait3A_202 = tpu.memref_slice %arg3[%dma_wait3A_200, %dma_wait3A_201] : memref<40000x128xf32, #tpu.memory_space<hbm>> -> memref<40000x128xf32, #tpu.memory_space<hbm>>
      tpu.wait_indirect_dma semaphore(%arg17 : memref<!tpu.dma_semaphore, #tpu.memory_space<semaphore_mem>>) src(%dma_wait3A_202 : memref<40000x128xf32, #tpu.memory_space<hbm>>) dst(%dma_wait3A_198 : memref<128x128xf32, #tpu.memory_space<vmem>>)
      %dma_wait3A_203 = arith.constant 128 : i32
      %dma_wait3A_204 = arith.constant 0 : i32
      %dma_wait3A_205 = tpu.memref_slice %arg11[%dma_wait3A_203, %dma_wait3A_204] : memref<384x128xf32, #tpu.memory_space<vmem>> -> memref<128x128xf32, #tpu.memory_space<vmem>>
      %dma_wait3A_206 = tpu.memref_slice %arg12[%add3A_180] : memref<3456xi32, #tpu.memory_space<vmem>> -> memref<128xi32, #tpu.memory_space<vmem>>
      %dma_wait3A_207 = arith.constant 0 : i32
      %dma_wait3A_208 = arith.constant 0 : i32
      %dma_wait3A_209 = tpu.memref_slice %arg3[%dma_wait3A_207, %dma_wait3A_208] : memref<40000x128xf32, #tpu.memory_space<hbm>> -> memref<40000x128xf32, #tpu.memory_space<hbm>>
      tpu.wait_indirect_dma semaphore(%arg17 : memref<!tpu.dma_semaphore, #tpu.memory_space<semaphore_mem>>) src(%dma_wait3A_209 : memref<40000x128xf32, #tpu.memory_space<hbm>>) dst(%dma_wait3A_205 : memref<128x128xf32, #tpu.memory_space<vmem>>)
      %dma_wait3A_210 = arith.constant 256 : i32
      %dma_wait3A_211 = arith.constant 0 : i32
      %dma_wait3A_212 = tpu.memref_slice %arg11[%dma_wait3A_210, %dma_wait3A_211] : memref<384x128xf32, #tpu.memory_space<vmem>> -> memref<128x128xf32, #tpu.memory_space<vmem>>
      %dma_wait3A_213 = tpu.memref_slice %arg12[%add3A_189] : memref<3456xi32, #tpu.memory_space<vmem>> -> memref<128xi32, #tpu.memory_space<vmem>>
      %dma_wait3A_214 = arith.constant 0 : i32
      %dma_wait3A_215 = arith.constant 0 : i32
      %dma_wait3A_216 = tpu.memref_slice %arg3[%dma_wait3A_214, %dma_wait3A_215] : memref<40000x128xf32, #tpu.memory_space<hbm>> -> memref<40000x128xf32, #tpu.memory_space<hbm>>
      tpu.wait_indirect_dma semaphore(%arg17 : memref<!tpu.dma_semaphore, #tpu.memory_space<semaphore_mem>>) src(%dma_wait3A_216 : memref<40000x128xf32, #tpu.memory_space<hbm>>) dst(%dma_wait3A_212 : memref<128x128xf32, #tpu.memory_space<vmem>>)
      %mul3A_217 = arith.constant 3 : i32
      %mul3A_218 = arith.muli %while3A_167, %mul3A_217 : i32
      %add3A_219 = arith.constant 0 : i32
      %add3A_220 = arith.addi %mul3A_218, %add3A_219 : i32
      %dma_start3A_221 = arith.constant 0 : i32
      %dma_start3A_222 = arith.constant 0 : i32
      %dma_start3A_223 = tpu.memref_slice %arg11[%dma_start3A_221, %dma_start3A_222] : memref<384x128xf32, #tpu.memory_space<vmem>> -> memref<128x128xf32, #tpu.memory_space<vmem>>
      %dma_start3A_224 = arith.constant 0 : i32
      %dma_start3A_225 = tpu.memref_slice %arg14[%add3A_220, %dma_start3A_224] : memref<27x128xi32, #tpu.memory_space<vmem>> -> memref<1x128xi32, #tpu.memory_space<vmem>>
      %dma_start3A_226 = tpu.memref_squeeze %dma_start3A_225 : memref<1x128xi32, #tpu.memory_space<vmem>> -> memref<128xi32, #tpu.memory_space<vmem>>
      %dma_start3A_227 = arith.constant 0 : i32
      %dma_start3A_228 = arith.constant 0 : i32
      %dma_start3A_229 = tpu.memref_slice %arg4[%dma_start3A_227, %dma_start3A_228] : memref<106624x128xf32, #tpu.memory_space<hbm>> -> memref<106624x128xf32, #tpu.memory_space<hbm>>
      tpu.enqueue_indirect_dma source(%dma_start3A_223 : memref<128x128xf32, #tpu.memory_space<vmem>>) target(%dma_start3A_229 : memref<106624x128xf32, #tpu.memory_space<hbm>>) offsets(%dma_start3A_226 : memref<128xi32, #tpu.memory_space<vmem>>) semaphore(%arg18 : memref<!tpu.dma_semaphore, #tpu.memory_space<semaphore_mem>>)
      %mul3A_230 = arith.constant 3 : i32
      %mul3A_231 = arith.muli %while3A_167, %mul3A_230 : i32
      %add3A_232 = arith.constant 1 : i32
      %add3A_233 = arith.addi %mul3A_231, %add3A_232 : i32
      %dma_start3A_234 = arith.constant 128 : i32
      %dma_start3A_235 = arith.constant 0 : i32
      %dma_start3A_236 = tpu.memref_slice %arg11[%dma_start3A_234, %dma_start3A_235] : memref<384x128xf32, #tpu.memory_space<vmem>> -> memref<128x128xf32, #tpu.memory_space<vmem>>
      %dma_start3A_237 = arith.constant 0 : i32
      %dma_start3A_238 = tpu.memref_slice %arg14[%add3A_233, %dma_start3A_237] : memref<27x128xi32, #tpu.memory_space<vmem>> -> memref<1x128xi32, #tpu.memory_space<vmem>>
      %dma_start3A_239 = tpu.memref_squeeze %dma_start3A_238 : memref<1x128xi32, #tpu.memory_space<vmem>> -> memref<128xi32, #tpu.memory_space<vmem>>
      %dma_start3A_240 = arith.constant 0 : i32
      %dma_start3A_241 = arith.constant 0 : i32
      %dma_start3A_242 = tpu.memref_slice %arg4[%dma_start3A_240, %dma_start3A_241] : memref<106624x128xf32, #tpu.memory_space<hbm>> -> memref<106624x128xf32, #tpu.memory_space<hbm>>
      tpu.enqueue_indirect_dma source(%dma_start3A_236 : memref<128x128xf32, #tpu.memory_space<vmem>>) target(%dma_start3A_242 : memref<106624x128xf32, #tpu.memory_space<hbm>>) offsets(%dma_start3A_239 : memref<128xi32, #tpu.memory_space<vmem>>) semaphore(%arg18 : memref<!tpu.dma_semaphore, #tpu.memory_space<semaphore_mem>>)
      %mul3A_243 = arith.constant 3 : i32
      %mul3A_244 = arith.muli %while3A_167, %mul3A_243 : i32
      %add3A_245 = arith.constant 2 : i32
      %add3A_246 = arith.addi %mul3A_244, %add3A_245 : i32
      %dma_start3A_247 = arith.constant 256 : i32
      %dma_start3A_248 = arith.constant 0 : i32
      %dma_start3A_249 = tpu.memref_slice %arg11[%dma_start3A_247, %dma_start3A_248] : memref<384x128xf32, #tpu.memory_space<vmem>> -> memref<128x128xf32, #tpu.memory_space<vmem>>
      %dma_start3A_250 = arith.constant 0 : i32
      %dma_start3A_251 = tpu.memref_slice %arg14[%add3A_246, %dma_start3A_250] : memref<27x128xi32, #tpu.memory_space<vmem>> -> memref<1x128xi32, #tpu.memory_space<vmem>>
      %dma_start3A_252 = tpu.memref_squeeze %dma_start3A_251 : memref<1x128xi32, #tpu.memory_space<vmem>> -> memref<128xi32, #tpu.memory_space<vmem>>
      %dma_start3A_253 = arith.constant 0 : i32
      %dma_start3A_254 = arith.constant 0 : i32
      %dma_start3A_255 = tpu.memref_slice %arg4[%dma_start3A_253, %dma_start3A_254] : memref<106624x128xf32, #tpu.memory_space<hbm>> -> memref<106624x128xf32, #tpu.memory_space<hbm>>
      tpu.enqueue_indirect_dma source(%dma_start3A_249 : memref<128x128xf32, #tpu.memory_space<vmem>>) target(%dma_start3A_255 : memref<106624x128xf32, #tpu.memory_space<hbm>>) offsets(%dma_start3A_252 : memref<128xi32, #tpu.memory_space<vmem>>) semaphore(%arg18 : memref<!tpu.dma_semaphore, #tpu.memory_space<semaphore_mem>>)
      %dma_wait3A_256 = arith.constant 0 : i32
      %dma_wait3A_257 = arith.constant 0 : i32
      %dma_wait3A_258 = tpu.memref_slice %arg11[%dma_wait3A_256, %dma_wait3A_257] : memref<384x128xf32, #tpu.memory_space<vmem>> -> memref<128x128xf32, #tpu.memory_space<vmem>>
      %dma_wait3A_259 = arith.constant 0 : i32
      %dma_wait3A_260 = tpu.memref_slice %arg14[%add3A_220, %dma_wait3A_259] : memref<27x128xi32, #tpu.memory_space<vmem>> -> memref<1x128xi32, #tpu.memory_space<vmem>>
      %dma_wait3A_261 = tpu.memref_squeeze %dma_wait3A_260 : memref<1x128xi32, #tpu.memory_space<vmem>> -> memref<128xi32, #tpu.memory_space<vmem>>
      %dma_wait3A_262 = arith.constant 0 : i32
      %dma_wait3A_263 = arith.constant 0 : i32
      %dma_wait3A_264 = tpu.memref_slice %arg4[%dma_wait3A_262, %dma_wait3A_263] : memref<106624x128xf32, #tpu.memory_space<hbm>> -> memref<106624x128xf32, #tpu.memory_space<hbm>>
      tpu.wait_indirect_dma semaphore(%arg18 : memref<!tpu.dma_semaphore, #tpu.memory_space<semaphore_mem>>) src(%dma_wait3A_258 : memref<128x128xf32, #tpu.memory_space<vmem>>) dst(%dma_wait3A_264 : memref<106624x128xf32, #tpu.memory_space<hbm>>)
      %dma_wait3A_265 = arith.constant 128 : i32
      %dma_wait3A_266 = arith.constant 0 : i32
      %dma_wait3A_267 = tpu.memref_slice %arg11[%dma_wait3A_265, %dma_wait3A_266] : memref<384x128xf32, #tpu.memory_space<vmem>> -> memref<128x128xf32, #tpu.memory_space<vmem>>
      %dma_wait3A_268 = arith.constant 0 : i32
      %dma_wait3A_269 = tpu.memref_slice %arg14[%add3A_233, %dma_wait3A_268] : memref<27x128xi32, #tpu.memory_space<vmem>> -> memref<1x128xi32, #tpu.memory_space<vmem>>
      %dma_wait3A_270 = tpu.memref_squeeze %dma_wait3A_269 : memref<1x128xi32, #tpu.memory_space<vmem>> -> memref<128xi32, #tpu.memory_space<vmem>>
      %dma_wait3A_271 = arith.constant 0 : i32
      %dma_wait3A_272 = arith.constant 0 : i32
      %dma_wait3A_273 = tpu.memref_slice %arg4[%dma_wait3A_271, %dma_wait3A_272] : memref<106624x128xf32, #tpu.memory_space<hbm>> -> memref<106624x128xf32, #tpu.memory_space<hbm>>
      tpu.wait_indirect_dma semaphore(%arg18 : memref<!tpu.dma_semaphore, #tpu.memory_space<semaphore_mem>>) src(%dma_wait3A_267 : memref<128x128xf32, #tpu.memory_space<vmem>>) dst(%dma_wait3A_273 : memref<106624x128xf32, #tpu.memory_space<hbm>>)
      %dma_wait3A_274 = arith.constant 256 : i32
      %dma_wait3A_275 = arith.constant 0 : i32
      %dma_wait3A_276 = tpu.memref_slice %arg11[%dma_wait3A_274, %dma_wait3A_275] : memref<384x128xf32, #tpu.memory_space<vmem>> -> memref<128x128xf32, #tpu.memory_space<vmem>>
      %dma_wait3A_277 = arith.constant 0 : i32
      %dma_wait3A_278 = tpu.memref_slice %arg14[%add3A_246, %dma_wait3A_277] : memref<27x128xi32, #tpu.memory_space<vmem>> -> memref<1x128xi32, #tpu.memory_space<vmem>>
      %dma_wait3A_279 = tpu.memref_squeeze %dma_wait3A_278 : memref<1x128xi32, #tpu.memory_space<vmem>> -> memref<128xi32, #tpu.memory_space<vmem>>
      %dma_wait3A_280 = arith.constant 0 : i32
      %dma_wait3A_281 = arith.constant 0 : i32
      %dma_wait3A_282 = tpu.memref_slice %arg4[%dma_wait3A_280, %dma_wait3A_281] : memref<106624x128xf32, #tpu.memory_space<hbm>> -> memref<106624x128xf32, #tpu.memory_space<hbm>>
      tpu.wait_indirect_dma semaphore(%arg18 : memref<!tpu.dma_semaphore, #tpu.memory_space<semaphore_mem>>) src(%dma_wait3A_276 : memref<128x128xf32, #tpu.memory_space<vmem>>) dst(%dma_wait3A_282 : memref<106624x128xf32, #tpu.memory_space<hbm>>)
      %while3A_283 = arith.constant 0 : i32
      scf.yield %while3A_283 : i32
    }
    %while3A_165 = arith.constant 1 : i32
    %while3A_166 = scf.for %while3A_167 = %while3A_162 to %while3A_158 step %while3A_165 iter_args(%while3A_168 = %while3A_164) -> (i32)  : i32 {
      %mul3A_169 = arith.constant 384 : i32
      %mul3A_170 = arith.muli %while3A_167, %mul3A_169 : i32
      %add3A_171 = arith.constant 0 : i32
      %add3A_172 = arith.addi %mul3A_170, %add3A_171 : i32
      %dma_start3A = arith.constant 0 : i32
      %dma_start3A_173 = arith.constant 0 : i32
      %dma_start3A_174 = tpu.memref_slice %arg11[%dma_start3A, %dma_start3A_173] : memref<384x128xf32, #tpu.memory_space<vmem>> -> memref<128x128xf32, #tpu.memory_space<vmem>>
      %dma_start3A_175 = tpu.memref_slice %arg12[%add3A_172] : memref<3456xi32, #tpu.memory_space<vmem>> -> memref<128xi32, #tpu.memory_space<vmem>>
      %dma_start3A_176 = arith.constant 0 : i32
      %dma_start3A_177 = arith.constant 0 : i32
      %dma_start3A_178 = tpu.memref_slice %arg3[%dma_start3A_176, %dma_start3A_177] : memref<40000x128xf32, #tpu.memory_space<hbm>> -> memref<40000x128xf32, #tpu.memory_space<hbm>>
      tpu.enqueue_indirect_dma source(%dma_start3A_178 : memref<40000x128xf32, #tpu.memory_space<hbm>>) target(%dma_start3A_174 : memref<128x128xf32, #tpu.memory_space<vmem>>) offsets(%dma_start3A_175 : memref<128xi32, #tpu.memory_space<vmem>>) semaphore(%arg17 : memref<!tpu.dma_semaphore, #tpu.memory_space<semaphore_mem>>)
      %add3A_179 = arith.constant 128 : i32
      %add3A_180 = arith.addi %mul3A_170, %add3A_179 : i32
      %dma_start3A_181 = arith.constant 128 : i32
      %dma_start3A_182 = arith.constant 0 : i32
      %dma_start3A_183 = tpu.memref_slice %arg11[%dma_start3A_181, %dma_start3A_182] : memref<384x128xf32, #tpu.memory_space<vmem>> -> memref<128x128xf32, #tpu.memory_space<vmem>>
      %dma_start3A_184 = tpu.memref_slice %arg12[%add3A_180] : memref<3456xi32, #tpu.memory_space<vmem>> -> memref<128xi32, #tpu.memory_space<vmem>>
      %dma_start3A_185 = arith.constant 0 : i32
      %dma_start3A_186 = arith.constant 0 : i32
      %dma_start3A_187 = tpu.memref_slice %arg3[%dma_start3A_185, %dma_start3A_186] : memref<40000x128xf32, #tpu.memory_space<hbm>> -> memref<40000x128xf32, #tpu.memory_space<hbm>>
      tpu.enqueue_indirect_dma source(%dma_start3A_187 : memref<40000x128xf32, #tpu.memory_space<hbm>>) target(%dma_start3A_183 : memref<128x128xf32, #tpu.memory_space<vmem>>) offsets(%dma_start3A_184 : memref<128xi32, #tpu.memory_space<vmem>>) semaphore(%arg17 : memref<!tpu.dma_semaphore, #tpu.memory_space<semaphore_mem>>)
      %add3A_188 = arith.constant 256 : i32
      %add3A_189 = arith.addi %mul3A_170, %add3A_188 : i32
      %dma_start3A_190 = arith.constant 256 : i32
      %dma_start3A_191 = arith.constant 0 : i32
      %dma_start3A_192 = tpu.memref_slice %arg11[%dma_start3A_190, %dma_start3A_191] : memref<384x128xf32, #tpu.memory_space<vmem>> -> memref<128x128xf32, #tpu.memory_space<vmem>>
      %dma_start3A_193 = tpu.memref_slice %arg12[%add3A_189] : memref<3456xi32, #tpu.memory_space<vmem>> -> memref<128xi32, #tpu.memory_space<vmem>>
      %dma_start3A_194 = arith.constant 0 : i32
      %dma_start3A_195 = arith.constant 0 : i32
      %dma_start3A_196 = tpu.memref_slice %arg3[%dma_start3A_194, %dma_start3A_195] : memref<40000x128xf32, #tpu.memory_space<hbm>> -> memref<40000x128xf32, #tpu.memory_space<hbm>>
      tpu.enqueue_indirect_dma source(%dma_start3A_196 : memref<40000x128xf32, #tpu.memory_space<hbm>>) target(%dma_start3A_192 : memref<128x128xf32, #tpu.memory_space<vmem>>) offsets(%dma_start3A_193 : memref<128xi32, #tpu.memory_space<vmem>>) semaphore(%arg17 : memref<!tpu.dma_semaphore, #tpu.memory_space<semaphore_mem>>)
      %dma_wait3A = arith.constant 0 : i32
      %dma_wait3A_197 = arith.constant 0 : i32
      %dma_wait3A_198 = tpu.memref_slice %arg11[%dma_wait3A, %dma_wait3A_197] : memref<384x128xf32, #tpu.memory_space<vmem>> -> memref<128x128xf32, #tpu.memory_space<vmem>>
      %dma_wait3A_199 = tpu.memref_slice %arg12[%add3A_172] : memref<3456xi32, #tpu.memory_space<vmem>> -> memref<128xi32, #tpu.memory_space<vmem>>
      %dma_wait3A_200 = arith.constant 0 : i32
      %dma_wait3A_201 = arith.constant 0 : i32
      %dma_wait3A_202 = tpu.memref_slice %arg3[%dma_wait3A_200, %dma_wait3A_201] : memref<40000x128xf32, #tpu.memory_space<hbm>> -> memref<40000x128xf32, #tpu.memory_space<hbm>>
      tpu.wait_indirect_dma semaphore(%arg17 : memref<!tpu.dma_semaphore, #tpu.memory_space<semaphore_mem>>) src(%dma_wait3A_202 : memref<40000x128xf32, #tpu.memory_space<hbm>>) dst(%dma_wait3A_198 : memref<128x128xf32, #tpu.memory_space<vmem>>)
      %dma_wait3A_203 = arith.constant 128 : i32
      %dma_wait3A_204 = arith.constant 0 : i32
      %dma_wait3A_205 = tpu.memref_slice %arg11[%dma_wait3A_203, %dma_wait3A_204] : memref<384x128xf32, #tpu.memory_space<vmem>> -> memref<128x128xf32, #tpu.memory_space<vmem>>
      %dma_wait3A_206 = tpu.memref_slice %arg12[%add3A_180] : memref<3456xi32, #tpu.memory_space<vmem>> -> memref<128xi32, #tpu.memory_space<vmem>>
      %dma_wait3A_207 = arith.constant 0 : i32
      %dma_wait3A_208 = arith.constant 0 : i32
      %dma_wait3A_209 = tpu.memref_slice %arg3[%dma_wait3A_207, %dma_wait3A_208] : memref<40000x128xf32, #tpu.memory_space<hbm>> -> memref<40000x128xf32, #tpu.memory_space<hbm>>
      tpu.wait_indirect_dma semaphore(%arg17 : memref<!tpu.dma_semaphore, #tpu.memory_space<semaphore_mem>>) src(%dma_wait3A_209 : memref<40000x128xf32, #tpu.memory_space<hbm>>) dst(%dma_wait3A_205 : memref<128x128xf32, #tpu.memory_space<vmem>>)
      %dma_wait3A_210 = arith.constant 256 : i32
      %dma_wait3A_211 = arith.constant 0 : i32
      %dma_wait3A_212 = tpu.memref_slice %arg11[%dma_wait3A_210, %dma_wait3A_211] : memref<384x128xf32, #tpu.memory_space<vmem>> -> memref<128x128xf32, #tpu.memory_space<vmem>>
      %dma_wait3A_213 = tpu.memref_slice %arg12[%add3A_189] : memref<3456xi32, #tpu.memory_space<vmem>> -> memref<128xi32, #tpu.memory_space<vmem>>
      %dma_wait3A_214 = arith.constant 0 : i32
      %dma_wait3A_215 = arith.constant 0 : i32
      %dma_wait3A_216 = tpu.memref_slice %arg3[%dma_wait3A_214, %dma_wait3A_215] : memref<40000x128xf32, #tpu.memory_space<hbm>> -> memref<40000x128xf32, #tpu.memory_space<hbm>>
      tpu.wait_indirect_dma semaphore(%arg17 : memref<!tpu.dma_semaphore, #tpu.memory_space<semaphore_mem>>) src(%dma_wait3A_216 : memref<40000x128xf32, #tpu.memory_space<hbm>>) dst(%dma_wait3A_212 : memref<128x128xf32, #tpu.memory_space<vmem>>)
      %mul3A_217 = arith.constant 3 : i32
      %mul3A_218 = arith.muli %while3A_167, %mul3A_217 : i32
      %add3A_219 = arith.constant 0 : i32
      %add3A_220 = arith.addi %mul3A_218, %add3A_219 : i32
      %dma_start3A_221 = arith.constant 0 : i32
      %dma_start3A_222 = arith.constant 0 : i32
      %dma_start3A_223 = tpu.memref_slice %arg11[%dma_start3A_221, %dma_start3A_222] : memref<384x128xf32, #tpu.memory_space<vmem>> -> memref<128x128xf32, #tpu.memory_space<vmem>>
      %dma_start3A_224 = arith.constant 0 : i32
      %dma_start3A_225 = tpu.memref_slice %arg14[%add3A_220, %dma_start3A_224] : memref<27x128xi32, #tpu.memory_space<vmem>> -> memref<1x128xi32, #tpu.memory_space<vmem>>
      %dma_start3A_226 = tpu.memref_squeeze %dma_start3A_225 : memref<1x128xi32, #tpu.memory_space<vmem>> -> memref<128xi32, #tpu.memory_space<vmem>>
      %dma_start3A_227 = arith.constant 0 : i32
      %dma_start3A_228 = arith.constant 0 : i32
      %dma_start3A_229 = tpu.memref_slice %arg4[%dma_start3A_227, %dma_start3A_228] : memref<106624x128xf32, #tpu.memory_space<hbm>> -> memref<106624x128xf32, #tpu.memory_space<hbm>>
      tpu.enqueue_indirect_dma source(%dma_start3A_223 : memref<128x128xf32, #tpu.memory_space<vmem>>) target(%dma_start3A_229 : memref<106624x128xf32, #tpu.memory_space<hbm>>) offsets(%dma_start3A_226 : memref<128xi32, #tpu.memory_space<vmem>>) semaphore(%arg18 : memref<!tpu.dma_semaphore, #tpu.memory_space<semaphore_mem>>)
      %mul3A_230 = arith.constant 3 : i32
      %mul3A_231 = arith.muli %while3A_167, %mul3A_230 : i32
      %add3A_232 = arith.constant 1 : i32
      %add3A_233 = arith.addi %mul3A_231, %add3A_232 : i32
      %dma_start3A_234 = arith.constant 128 : i32
      %dma_start3A_235 = arith.constant 0 : i32
      %dma_start3A_236 = tpu.memref_slice %arg11[%dma_start3A_234, %dma_start3A_235] : memref<384x128xf32, #tpu.memory_space<vmem>> -> memref<128x128xf32, #tpu.memory_space<vmem>>
      %dma_start3A_237 = arith.constant 0 : i32
      %dma_start3A_238 = tpu.memref_slice %arg14[%add3A_233, %dma_start3A_237] : memref<27x128xi32, #tpu.memory_space<vmem>> -> memref<1x128xi32, #tpu.memory_space<vmem>>
      %dma_start3A_239 = tpu.memref_squeeze %dma_start3A_238 : memref<1x128xi32, #tpu.memory_space<vmem>> -> memref<128xi32, #tpu.memory_space<vmem>>
      %dma_start3A_240 = arith.constant 0 : i32
      %dma_start3A_241 = arith.constant 0 : i32
      %dma_start3A_242 = tpu.memref_slice %arg4[%dma_start3A_240, %dma_start3A_241] : memref<106624x128xf32, #tpu.memory_space<hbm>> -> memref<106624x128xf32, #tpu.memory_space<hbm>>
      tpu.enqueue_indirect_dma source(%dma_start3A_236 : memref<128x128xf32, #tpu.memory_space<vmem>>) target(%dma_start3A_242 : memref<106624x128xf32, #tpu.memory_space<hbm>>) offsets(%dma_start3A_239 : memref<128xi32, #tpu.memory_space<vmem>>) semaphore(%arg18 : memref<!tpu.dma_semaphore, #tpu.memory_space<semaphore_mem>>)
      %mul3A_243 = arith.constant 3 : i32
      %mul3A_244 = arith.muli %while3A_167, %mul3A_243 : i32
      %add3A_245 = arith.constant 2 : i32
      %add3A_246 = arith.addi %mul3A_244, %add3A_245 : i32
      %dma_start3A_247 = arith.constant 256 : i32
      %dma_start3A_248 = arith.constant 0 : i32
      %dma_start3A_249 = tpu.memref_slice %arg11[%dma_start3A_247, %dma_start3A_248] : memref<384x128xf32, #tpu.memory_space<vmem>> -> memref<128x128xf32, #tpu.memory_space<vmem>>
      %dma_start3A_250 = arith.constant 0 : i32
      %dma_start3A_251 = tpu.memref_slice %arg14[%add3A_246, %dma_start3A_250] : memref<27x128xi32, #tpu.memory_space<vmem>> -> memref<1x128xi32, #tpu.memory_space<vmem>>
      %dma_start3A_252 = tpu.memref_squeeze %dma_start3A_251 : memref<1x128xi32, #tpu.memory_space<vmem>> -> memref<128xi32, #tpu.memory_space<vmem>>
      %dma_start3A_253 = arith.constant 0 : i32
      %dma_start3A_254 = arith.constant 0 : i32
      %dma_start3A_255 = tpu.memref_slice %arg4[%dma_start3A_253, %dma_start3A_254] : memref<106624x128xf32, #tpu.memory_space<hbm>> -> memref<106624x128xf32, #tpu.memory_space<hbm>>
      tpu.enqueue_indirect_dma source(%dma_start3A_249 : memref<128x128xf32, #tpu.memory_space<vmem>>) target(%dma_start3A_255 : memref<106624x128xf32, #tpu.memory_space<hbm>>) offsets(%dma_start3A_252 : memref<128xi32, #tpu.memory_space<vmem>>) semaphore(%arg18 : memref<!tpu.dma_semaphore, #tpu.memory_space<semaphore_mem>>)
      %dma_wait3A_256 = arith.constant 0 : i32
      %dma_wait3A_257 = arith.constant 0 : i32
      %dma_wait3A_258 = tpu.memref_slice %arg11[%dma_wait3A_256, %dma_wait3A_257] : memref<384x128xf32, #tpu.memory_space<vmem>> -> memref<128x128xf32, #tpu.memory_space<vmem>>
      %dma_wait3A_259 = arith.constant 0 : i32
      %dma_wait3A_260 = tpu.memref_slice %arg14[%add3A_220, %dma_wait3A_259] : memref<27x128xi32, #tpu.memory_space<vmem>> -> memref<1x128xi32, #tpu.memory_space<vmem>>
      %dma_wait3A_261 = tpu.memref_squeeze %dma_wait3A_260 : memref<1x128xi32, #tpu.memory_space<vmem>> -> memref<128xi32, #tpu.memory_space<vmem>>
      %dma_wait3A_262 = arith.constant 0 : i32
      %dma_wait3A_263 = arith.constant 0 : i32
      %dma_wait3A_264 = tpu.memref_slice %arg4[%dma_wait3A_262, %dma_wait3A_263] : memref<106624x128xf32, #tpu.memory_space<hbm>> -> memref<106624x128xf32, #tpu.memory_space<hbm>>
      tpu.wait_indirect_dma semaphore(%arg18 : memref<!tpu.dma_semaphore, #tpu.memory_space<semaphore_mem>>) src(%dma_wait3A_258 : memref<128x128xf32, #tpu.memory_space<vmem>>) dst(%dma_wait3A_264 : memref<106624x128xf32, #tpu.memory_space<hbm>>)
      %dma_wait3A_265 = arith.constant 128 : i32
      %dma_wait3A_266 = arith.constant 0 : i32
      %dma_wait3A_267 = tpu.memref_slice %arg11[%dma_wait3A_265, %dma_wait3A_266] : memref<384x128xf32, #tpu.memory_space<vmem>> -> memref<128x128xf32, #tpu.memory_space<vmem>>
      %dma_wait3A_268 = arith.constant 0 : i32
      %dma_wait3A_269 = tpu.memref_slice %arg14[%add3A_233, %dma_wait3A_268] : memref<27x128xi32, #tpu.memory_space<vmem>> -> memref<1x128xi32, #tpu.memory_space<vmem>>
      %dma_wait3A_270 = tpu.memref_squeeze %dma_wait3A_269 : memref<1x128xi32, #tpu.memory_space<vmem>> -> memref<128xi32, #tpu.memory_space<vmem>>
      %dma_wait3A_271 = arith.constant 0 : i32
      %dma_wait3A_272 = arith.constant 0 : i32
      %dma_wait3A_273 = tpu.memref_slice %arg4[%dma_wait3A_271, %dma_wait3A_272] : memref<106624x128xf32, #tpu.memory_space<hbm>> -> memref<106624x128xf32, #tpu.memory_space<hbm>>
      tpu.wait_indirect_dma semaphore(%arg18 : memref<!tpu.dma_semaphore, #tpu.memory_space<semaphore_mem>>) src(%dma_wait3A_267 : memref<128x128xf32, #tpu.memory_space<vmem>>) dst(%dma_wait3A_273 : memref<106624x128xf32, #tpu.memory_space<hbm>>)
      %dma_wait3A_274 = arith.constant 256 : i32
      %dma_wait3A_275 = arith.constant 0 : i32
      %dma_wait3A_276 = tpu.memref_slice %arg11[%dma_wait3A_274, %dma_wait3A_275] : memref<384x128xf32, #tpu.memory_space<vmem>> -> memref<128x128xf32, #tpu.memory_space<vmem>>
      %dma_wait3A_277 = arith.constant 0 : i32
      %dma_wait3A_278 = tpu.memref_slice %arg14[%add3A_246, %dma_wait3A_277] : memref<27x128xi32, #tpu.memory_space<vmem>> -> memref<1x128xi32, #tpu.memory_space<vmem>>
      %dma_wait3A_279 = tpu.memref_squeeze %dma_wait3A_278 : memref<1x128xi32, #tpu.memory_space<vmem>> -> memref<128xi32, #tpu.memory_space<vmem>>
      %dma_wait3A_280 = arith.constant 0 : i32
      %dma_wait3A_281 = arith.constant 0 : i32
      %dma_wait3A_282 = tpu.memref_slice %arg4[%dma_wait3A_280, %dma_wait3A_281] : memref<106624x128xf32, #tpu.memory_space<hbm>> -> memref<106624x128xf32, #tpu.memory_space<hbm>>
      tpu.wait_indirect_dma semaphore(%arg18 : memref<!tpu.dma_semaphore, #tpu.memory_space<semaphore_mem>>) src(%dma_wait3A_276 : memref<128x128xf32, #tpu.memory_space<vmem>>) dst(%dma_wait3A_282 : memref<106624x128xf32, #tpu.memory_space<hbm>>)
      %while3A_283 = arith.constant 0 : i32
      scf.yield %while3A_283 : i32
    }
    return
  }
}

module attributes {stable_mosaic.version = 14 : i64} {
  func.func @_k2_body(%arg0: i32, %arg1: i32, %arg2: memref<1x1x13312xi32, #tpu.memory_space<vmem>>, %arg3: memref<13312x128xf32, #tpu.memory_space<vmem>>, %arg4: memref<1x128x13312xf32, #tpu.memory_space<vmem>>) attributes {dimension_semantics = [#tpu.dimension_semantics<parallel>, #tpu.dimension_semantics<parallel>], iteration_bounds = array<i64: 4, 2>, scalar_prefetch = 0 : i64, scratch_operands = 0 : i64, tpu.core_type = #tpu.core_type<tc>, window_params = [{transform_indices = @transform_0, window_bounds = array<i64: 1, 1, 13312>}, {transform_indices = @transform_1, window_bounds = array<i64: 13312, 128>}, {transform_indices = @transform_2, window_bounds = array<i64: 1, 128, 13312>}]} {
    %get3A = arith.constant 0 : index
    %get3A_0 = arith.constant 0 : index
    %get3A_1 = vector.load %arg3[%get3A, %get3A_0] : memref<13312x128xf32, #tpu.memory_space<vmem>>, vector<13312x128xf32>
    %get3A_2 = arith.constant 0 : index
    %get3A_3 = arith.constant 0 : index
    %get3A_4 = arith.constant 0 : index
    %get3A_5 = vector.load %arg2[%get3A_2, %get3A_3, %get3A_4] : memref<1x1x13312xi32, #tpu.memory_space<vmem>>, vector<1x1x13312xi32>
    %get3A_6 = vector.shape_cast %get3A_5 : vector<1x1x13312xi32> to vector<13312xi32>
    %transpose3A = tpu.transpose %get3A_1, [1, 0] : vector<13312x128xf32> -> vector<128x13312xf32>
    %ge3A = arith.constant 0 : i32
    %ge3A_7 = vector.broadcast %ge3A : i32 to vector<13312xi32>
    %ge3A_8 = arith.cmpi sge, %get3A_6, %ge3A_7 : vector<13312xi32>
    %broadcast_in_dim3A = vector.shape_cast %ge3A_8 : vector<13312xi1> to vector<1x13312xi1>
    %jit3A = arith.constant 0.000000e+00 : f32
    %broadcast_in_dim3A_9 = vector.shape_cast %broadcast_in_dim3A : vector<1x13312xi1> to vector<1x13312xi1>
    %broadcast_in_dim3A_10 = vector.broadcast %broadcast_in_dim3A_9 : vector<1x13312xi1> to vector<128x13312xi1>
    %broadcast_in_dim3A_11 = vector.broadcast %jit3A : f32 to vector<128x13312xf32>
    %select_n3A = arith.select %broadcast_in_dim3A_10, %transpose3A, %broadcast_in_dim3A_11 : vector<128x13312xi1>, vector<128x13312xf32>
    %swap3A = arith.constant 0 : index
    %swap3A_12 = arith.constant 0 : index
    %swap3A_13 = arith.constant 0 : index
    %swap3A_14 = vector.load %arg4[%swap3A, %swap3A_12, %swap3A_13] : memref<1x128x13312xf32, #tpu.memory_space<vmem>>, vector<1x128x13312xf32>
    %swap3A_15 = vector.shape_cast %swap3A_14 : vector<1x128x13312xf32> to vector<128x13312xf32>
    %swap3A_16 = vector.shape_cast %select_n3A : vector<128x13312xf32> to vector<1x128x13312xf32>
    tpu.vector_store %arg4[%swap3A, %swap3A_12, %swap3A_13], %swap3A_16 {strides = array<i32>} : memref<1x128x13312xf32, #tpu.memory_space<vmem>>, vector<1x128x13312xf32>,
    return
  }
  func.func @transform_0(%arg0: i32, %arg1: i32) -> (i32, i32, i32) {
    %mul3A = arith.constant 2 : i32
    %mul3A_0 = arith.muli %mul3A, %arg0 : i32
    %add3A = arith.addi %mul3A_0, %arg1 : i32
    %c0_i32 = arith.constant 0 : i32
    %c0_i32_1 = arith.constant 0 : i32
    %c0_i32_2 = arith.constant 0 : i32
    return %add3A, %c0_i32, %c0_i32_1 : i32, i32, i32
  }
  func.func @transform_1(%arg0: i32, %arg1: i32) -> (i32, i32) {
    %mul3A = arith.constant 2 : i32
    %mul3A_0 = arith.muli %mul3A, %arg0 : i32
    %add3A = arith.addi %mul3A_0, %arg1 : i32
    %c0_i32 = arith.constant 0 : i32
    %c0_i32_1 = arith.constant 0 : i32
    return %add3A, %c0_i32 : i32, i32
  }
  func.func @transform_2(%arg0: i32, %arg1: i32) -> (i32, i32, i32) {
    %c0_i32 = arith.constant 0 : i32
    %c0_i32_0 = arith.constant 0 : i32
    return %arg0, %c0_i32, %arg1 : i32, i32, i32
  }
}

</mosaic_0001>

<sc_bundles>
// kernel: kernel.4.cloned.1.call-start
scs
__scs_entry_jumppad:
0x0: {  	(pc) =	sbr.rel $0x88, $3  }
0x1: {  	(tag) =	ssettag $0x0;
	lr =	simm.s32 $0x1  }
0x2: {  	[smem:$0x3F9F] =	sst lr;
	_ =	strace $0xD0000000  }
0x3: {  	_ = 	snop  }
0x4: {  	_ = 	snop  }
0x5: {  	_ = 	snop  }
0x6: {  	_ = 	snop  }
0x7: {  	_ = 	snop  }
__scs_overlays_trampoline_lowered:
0x8: {  	[smem:$0x3FAE] =	sst s0  }
0x9: {  	[smem:$0x3FAF] =	sst s1  }
0xa: {  	[smem:$0x3FB0] =	sst s2  }
0xb: {  	[smem:$0x3FB1] =	sst s3  }
0xc: {  	[smem:$0x3FB2] =	sst s4  }
0xd: {  	[smem:$0x3FB3] =	sst s5  }
0xe: {  	[smem:$0x3FB4] =	sst s6  }
0xf: {  	[smem:$0x3FB5] =	sst s7  }
0x10: {  	[smem:$0x3FB6] =	sst s8  }
0x11: {  	[smem:$0x3FB7] =	sst s9;
	s0 =	simm.s32 @!p0 $0x0  }
0x12: {  	s1 =	sld [smem:$0x3F9D];
	s0 =	simm.s32 @p0 $0x1  }
0x13: {  	[smem:$0x3FB8] =	sst s0;
	s0 =	simm.s32 @!p1 $0x0  }
0x14: {  	s2 =	sld [smem:$0x3F9C];
	s0 =	simm.s32 @p1 $0x1  }
0x15: {  	[smem:$0x3FB9] =	sst s0;
	s0 =	simm.s32 @!p2 $0x0  }
0x16: {  	s3 =	sld [smem:$0x3FDB];
	s0 =	simm.s32 @p2 $0x1  }
0x17: {  	s4 =	simm.s32 $0x1BF5;
	[smem:$0x3FBB] =	sst s0  }
0x18: {  	s0 =	sld [smem:$0x3F9E];
	_ =	swait.ge [sflag:s4], $0x0  }
0x19: {  	s7 =	sld [smem:$0x3F9F]  }
0x1a: {  	s8 =	sadd.s32 $0xFFFFE003, lr  }
0x1b: {  	s9 =	sadd.s32 $0xFFFFFEF7, lr;
	s5 =	simm.s32 $0xFFFFFFFF;
	p2 =	slt.u32 s8, $0xFFFFF086  }
0x1c: {  	p1 =	slt.u32 s9, $0xF7A;
	s5 =	simm.s32 @!p2 $0x0  }
0x1d: {  	s5 =	simm.s32 @p1 $0x1;
	p0 =	seq.s32 s7, s2  }
0x1e: {  	s7 =	smul.u32 @!p0 $0xF7A, s2;
	p2 =	seq.s32 @!p0 s5, $0x0  }
0x1f: {  	s9 =	smul.u32 $0xF7A, s1;
	s8 =	simm.s32 @!p0 $0x1BF5;
	p2 =	por !p2, p0  }
0x20: {  	[sflag:s8] =	ssyncset.s32 @!p0 $0xFFFFF086;
	s6 =	sadd.s32 @!p0 s3, s7;
	s7 =	simm.s32 @!p0 $0x108  }
0x21: {  	s3 =	sadd.s32 s3, s9;
	s6 =	sadd.s32 @!p0 $0x88, s6;
	s7 =	simm.s32 @p2 $0x1082  }
0x22: {  	[simem:s7], [sflag:s8] =	dma.local @!p0 [hbm:s6], $0xF7A  }
0x23: {  	s9 =	sor.u32 $0xD0000000, s2;
	s6 =	simm.s32 $0x108;
	_ =	swait.ge @!p0 [sflag:s8], $0x0  }
0x24: {  	s3 =	sadd.s32 $0x88, s3;
	s6 =	simm.s32 @!p1 $0x1082;
	[sflag:s4] =	ssyncset.s32 $0xFFFFF086  }
0x25: {  	[simem:s6], [sflag:s4] =	dma.local [hbm:s3], $0xF7A  }
0x26: {  	[smem:$0x3F9F] =	sst s1;
	(tag) =	ssettag s2;
	_ =	strace s9  }
0x27: {  	s1 =	sld [smem:$0x3FAF]  }
0x28: {  	s2 =	sld [smem:$0x3FB0]  }
0x29: {  	s4 =	sld [smem:$0x3FB2]  }
0x2a: {  	p0 =	seq.s32 s5, $0x0;
	s5 =	sld [smem:$0x3FB3]  }
0x2b: {  	s6 =	sld [smem:$0x3FB4]  }
0x2c: {  	s7 =	sld [smem:$0x3FB5]  }
0x2d: {  	s3 =	simm.s32 $0x108;
	s8 =	sld [smem:$0x3FB6]  }
0x2e: {  	s3 =	simm.s32 @!p0 $0x1082;
	s9 =	sld [smem:$0x3FB7]  }
0x2f: {  	lr =	sadd.s32 s0, s3;
	s0 =	sld [smem:$0x3FAE]  }
0x30: {  	s3 =	sld [smem:$0x3FB1]  }
0x31: {  	[smem:$0x3FBA] =	sst s10  }
0x32: {  	s10 =	sld [smem:$0x3FB8];
	_ =	sdelay $0x3  }
0x33: {  	p0 =	seq.s32 s10, $0x1;
	s10 =	sld [smem:$0x3FBA];
	_ =	sdelay $0x3  }
0x34: {  	[smem:$0x3FBA] =	sst s10  }
0x35: {  	s10 =	sld [smem:$0x3FB9];
	_ =	sdelay $0x3  }
0x36: {  	p1 =	seq.s32 s10, $0x1;
	s10 =	sld [smem:$0x3FBA];
	_ =	sdelay $0x3  }
0x37: {  	[smem:$0x3FBA] =	sst s10  }
0x38: {  	s10 =	sld [smem:$0x3FBB]  }
0x39: {  	_ = 	snop;
	(pc) =	sbr.ind lr, $3  }
0x3a: {  	_ = 	snop  }
0x3b: {  	_ = 	snop  }
0x3c: {  	p2 =	seq.s32 s10, $0x1;
	s10 =	sld [smem:$0x3FBA]  }
0x3d: {  	_ =	shalt  }
0x3e: {  	_ =	shalt  }
0x3f: {  	_ =	shalt  }
0x40: {  	_ =	shalt  }
0x41: {  	_ =	shalt  }
0x42: {  	_ =	shalt  }
0x43: {  	_ =	shalt  }
0x44: {  	_ =	shalt  }
0x45: {  	_ =	shalt  }
0x46: {  	_ =	shalt  }
0x47: {  	_ =	shalt  }
0x48: {  	_ =	shalt  }
0x49: {  	_ =	shalt  }
0x4a: {  	_ =	shalt  }
0x4b: {  	_ =	shalt  }
0x4c: {  	_ =	shalt  }
0x4d: {  	_ =	shalt  }
0x4e: {  	_ =	shalt  }
0x4f: {  	_ =	shalt  }
0x50: {  	_ =	shalt  }
0x51: {  	_ =	shalt  }
0x52: {  	_ =	shalt  }
0x53: {  	_ =	shalt  }
0x54: {  	_ =	shalt  }
0x55: {  	_ =	shalt  }
0x56: {  	_ =	shalt  }
0x57: {  	_ =	shalt  }
0x58: {  	_ =	shalt  }
0x59: {  	_ =	shalt  }
0x5a: {  	_ =	shalt  }
0x5b: {  	_ =	shalt  }
0x5c: {  	_ =	shalt  }
0x5d: {  	_ =	shalt  }
0x5e: {  	_ =	shalt  }
0x5f: {  	_ =	shalt  }
0x60: {  	_ =	shalt  }
0x61: {  	_ =	shalt  }
0x62: {  	_ =	shalt  }
0x63: {  	_ =	shalt  }
0x64: {  	_ =	shalt  }
0x65: {  	_ =	shalt  }
0x66: {  	_ =	shalt  }
0x67: {  	_ =	shalt  }
0x68: {  	_ =	shalt  }
0x69: {  	_ =	shalt  }
0x6a: {  	_ =	shalt  }
0x6b: {  	_ =	shalt  }
0x6c: {  	_ =	shalt  }
0x6d: {  	_ =	shalt  }
0x6e: {  	_ =	shalt  }
0x6f: {  	_ =	shalt  }
0x70: {  	_ =	shalt  }
0x71: {  	_ =	shalt  }
0x72: {  	_ =	shalt  }
0x73: {  	_ =	shalt  }
0x74: {  	_ =	shalt  }
0x75: {  	_ =	shalt  }
0x76: {  	_ =	shalt  }
0x77: {  	_ =	shalt  }
0x78: {  	_ =	shalt  }
0x79: {  	_ =	shalt  }
0x7a: {  	_ =	shalt  }
0x7b: {  	_ =	shalt  }
0x7c: {  	_ =	shalt  }
0x7d: {  	_ =	shalt  }
0x7e: {  	_ =	shalt  }
0x7f: {  	_ =	shalt  }
0x80: {  	_ =	shalt  }
0x81: {  	_ =	shalt  }
0x82: {  	_ =	shalt  }
0x83: {  	_ =	shalt  }
0x84: {  	_ =	shalt  }
0x85: {  	_ =	shalt  }
0x86: {  	_ =	shalt  }
0x87: {  	_ =	shalt  }
.Lfunc_end0:
.L_simem_size_0:
called_computation_lowered:
.L_overlay_start_0:
0x88: {  	s2 =	sld [smem:$0x3FD9]  }
0x89: {  	s3 =	sld [smem:$0x3FFE];
	_ =	sdelay $0x1  }
0x8a: {  	s1 =	srdreg.scid  }
0x8b: {  	s0 =	sand.u32 $0x1, s1  }
0x8c: {  	s17 =	sshll.u32 s0, $0xA;
	s2 =	sadd.s32 s3, s2  }
0x8d: {  	s2 =	sadd.s32 s2, s17  }
0x8e: {  	[smem:$0x3FC6] =	sst s2  }
0x8f: {  	_ = 	snop  }
0x90: {  	s2 =	sld [smem:$0x3FC9]  }
0x91: {  	s18 =	sld [smem:$0x3FD0];
	(tm) =	ssettm $0x1  }
0x92: {  	s4 =	sld [smem:$0x3FFB];
	_ =	sdelay $0x3  }
0x93: {  	_ =	strace s4  }
0x94: {  	s4 =	sld [smem:$0x3FFC];
	_ =	sdelay $0x3  }
0x95: {  	_ =	strace s4  }
0x96: {  	s4 =	sld [smem:$0x3FFD];
	_ =	sdelay $0x3  }
0x97: {  	_ =	strace s4  }
0x98: {  	_ =	strace $0x8FFFFFFF  }
0x99: {  	s19 =	sld [smem:$0x3FDB];
	_ =	sdelay $0x1  }
0x9a: {  	s5 =	simm.s32 $_scs_section_size  }
0x9b: {  	s6 =	simm.s32 $_size__tile_overlayer_lowered;
	s7 =	simm.s32 $_tile_overlayer_lowered  }
0x9c: {  	s22 =	simm.s32 $0x1BFF;
	s21 =	sshll.u32 s7, $0x1;
	s4 =	sadd.s32 s5, s19  }
0x9d: {  	s8 =	simm.s32 $0x0;
	s20 =	sshll.u32 s6, $0x1;
	s6 =	sadd.s32 s21, s4  }
0x9e: {  	[timem:s8], [sflag:s22] =	dma.local [hbm:s6], s20  }
0x9f: {  	_ =	swait.ge [sflag:s22], s20  }
0xa0: {  	s5 =	ssub.s32 $0x0, s20;
	[sflag:s22] =	ssyncset.done $0x0  }
0xa1: {  	[sflag:s22] =	ssyncadd.s32 s5;
	_ =	sdelay $0x1  }
0xa2: {  	s23 =	simm.s32 $0x1B8B  }
0xa3: {  	_ =	swait.ge [sflag:s23], $0x1  }
0xa4: {  	[sflag:s23] =	ssyncset.done $0x0  }
0xa5: {  	s25 =	simm.s32 $0x1B8E;
	s24 =	sld [smem:$0x3FFE];
	[sflag:s23] =	ssyncadd.s32 $0xFFFFFFFF  }
0xa6: {  	s26 =	simm.s32 $execute0_lowered;
	[smem:$0x3FD2] =	sst s25  }
0xa7: {  	s6 =	sshll.u32 s26, $0x1;
	_ =	strace $0x80000046;
	[dreg:$0x1] =	wrdreg $0xFFFFFFFF  }
0xa8: {  	s28 =	simm.s32 $_size_execute0_lowered;
	s4 =	sadd.s32 s4, s6;
	[dreg:$0x0] =	wrdreg $0x0  }
0xa9: {  	s6 =	sshll.u32 s28, $0x1;
	[dreg:$0x2] =	wrdreg s4  }
0xaa: {  	[dreg:$0x3] =	wrdreg s6  }
0xab: {  	[dreg:$0x4] =	wrdreg $0xC0  }
0xac: {  	_ =	task [dreg:s8], $0x5FFFF  }
0xad: {  	[dreg:$0x1] =	wrdreg $0xFFFFFFFF  }
0xae: {  	[dreg:$0x0] =	wrdreg $0x60  }
0xaf: {  	[dreg:$0x2] =	wrdreg s18  }
0xb0: {  	[dreg:$0x3] =	wrdreg s2  }
0xb1: {  	[dreg:$0x4] =	wrdreg s24  }
0xb2: {  	[dreg:$0x5] =	wrdreg $0x188000  }
0xb3: {  	[dreg:$0x6] =	wrdreg $0x191D00  }
0xb4: {  	[dreg:$0x7] =	wrdreg $0x9  }
0xb5: {  	_ =	task.clear_ibuf [dreg:s8], $0x8FFFF;
	_ =	strace $0x90000046  }
0xb6: {  	s29 =	simm.s32 $0x9;
	_ =	strace $0x80000048  }
0xb7: {  	_ =	swait.ge [sflag:s29], $0x1  }
0xb8: {  	[sflag:s29] =	ssyncadd.s32 $0xFFFFFFFF  }
0xb9: {  	_ =	strace $0x90000048  }
0xba: {  	_ =	sfence  }
0xbb: {  	s30 =	sld [smem:$0x0];
	_ =	sdelay $0x2  }
0xbc: {  	s31 =	sshll.u32 s1, $0xD;
	s1 =	sshrl.u32 s1, $0x2  }
0xbd: {  	s3 =	sand.u32 $0x4000, s31;
	s1 =	sadd.s32 s1, s30  }
0xbe: {  	s0 =	sor.u32 s3, s0;
	s1 =	sshll.u32 s1, $0x11  }
0xbf: {  	s0 =	sor.u32 s1, s0  }
0xc0: {  	s0 =	sadd.s32 $0x8F2B, s0  }
0xc1: {  	[sflag:s0] =	ssyncadd.remote.s32 $0x1  }
0xc2: {  	_ =	sfence.sel $0xFFFF  }
0xc3: {  	[dreg:$0x0] =	wrdreg $0xFFFFFFFF;
	(pc) =	sbr.abs _section_cstart, $3  }
0xc4: {  	[dreg:$0x1] =	wrdreg $0xFFFFFFFF  }
0xc5: {  	_ =	task.clear_ibuf [dreg:s8], $0x2FFFF;
	_ =	strace $0x9FFFFFFF  }
0xc6: {  	(tm) =	ssettm $0x7FFFFFFF  }
0xc7: {  	_ =	shalt  }
tec
execute0_lowered:
.L_overlay_start_1:
0x0: {  	(tag) =	ssettag $0x1  }
0x1: {  	s1 =	rddreg [dreg:$0x0]  }
0x2: {  	s0 =	rddreg [dreg:$0x1]  }
0x3: {  	s6 =	rddreg [dreg:$0x2]  }
0x4: {  	s2 =	srdreg.scid;
	s7 =	rddreg [dreg:$0x3]  }
0x5: {  	s19 =	stileid.u32;
	s8 =	rddreg [dreg:$0x4]  }
0x6: {  	s28 =	simm.s32 $0x9D00;
	s29 =	simm.s32 $0xDD00;
	s30 =	simm.s32 $0x11D00  }
0x7: {  	s2 =	sand.u32 $0x1, s2;
	s15 =	smul.u32 $0x4E8, s19;
	s11 =	sshrl.u32 s19, $0x2  }
0x8: {  	s3 =	sshll.u32 s2, $0x4;
	s10 =	ssub.s32 $0x2, s2;
	s2 =	smul.u32 $0xD000, s2  }
0x9: {  	s31 =	simm.s32 $0x2;
	s13 =	sshrl.u32 s19, $0x3;
	s11 =	smul.u32 $0x3400, s11  }
0xa: {  	s5 =	sadd.s32 $0x3E00, s6;
	s16 =	sand.u32 $0x3, s19;
	s20 =	smul.u32 $0x68000, s13  }
0xb: {  	s24 =	sshll.u32 s19, $0x7;
	p0 =	seq.s32 s19, $0xF;
	s21 =	smul.u32 $0x1A000, s16  }
0xc: {  	s25 =	sand.u32 $0x200, s24;
	s26 =	sand.u32 $0x380, s24;
	s24 =	simm.s32 $0x2780  }
0xd: {  	s17 =	sor.u32 s19, s3;
	s3 =	simm.s32 $0x0;
	s12 =	sshrl.u32 s10, $0x1  }
0xe: {  	s4 =	smul.u32 $0xD00, s17;
	[smem:$0x7FF] =	sst s3;
	s18 =	ssub.s32 s10, s12  }
0xf: {  	s23 =	sshrl.u32 s20, $0x2;
	s10 =	smul.u32 $0xD00, s19;
	s12 =	sshll.u32 s17, $0x7  }
0x10: {  	s20 =	simm.s32 $0x3;
	_ =	strace $0x80000047;
	s8 =	sadd.s32 s23, s8  }
0x11: {  	s23 =	sadd.s32 s2, s11;
	s9 =	sshrl.u32 s4, $0x3;
	s4 =	smul.u32 $0x9D0, s19  }
0x12: {  	s19 =	simm.s32 $0x7580;
	s6 =	sadd.s32 s9, s6;
	s9 =	sadd.s32 s1, s15  }
0x13: {  	v2 =	vmov s23;
	s23 =	simm.s32 $0x400;
	s1 =	sadd.s32 $0x4998, s1;
	[dreg:$0x6] =	wrdreg s9  }
0x14: {  	[dreg:$0x7] =	wrdreg s1;
	s22 =	sadd.s32 s4, s7;
	s9 =	smul.u32 $0x2740, s16  }
0x15: {  	s1 =	sshrl.u32 s21, $0x2;
	s16 =	sadd.s32 $0xA00, s6;
	s21 =	simm.s32 $0x3480  }
0x16: {  	[dreg:$0x8] =	wrdreg s22;
	s1 =	sadd.s32 s1, s8;
	s8 =	sadd.s32 s26, s8  }
.Ltmp0:
0x17: {  	s26 =	sshll.u32 s17, $0x2;
	s17 =	smax.u32 s18, $0x1;
	(pc) =	sbr.rel .LBB2_1-.Ltmp0, $4  }
0x18: {  	v0 =	vlaneseq.u32;
	s18 =	sadd.s32 s10, s2;
	s22 =	simm.s32 $0x80;
	s2 =	simm.s32 $0x0  }
0x19: {  	v1 =	vmul.u32 $0x4, v0;
	s7 =	sadd.s32 s9, s7;
	s11 =	sadd.s32 s25, s1;
	[dreg:$0xa] =	wrdreg s8  }
0x1a: {  	v7 =	vimm.s32 $0xFFFFFFFF;
	v8 =	vimm.s32 $0x0;
	s25 =	simm.s32 $0x6880;
	v4 =	vmov s26;
	s26 =	simm.s32 $0x1;
	[dreg:$0x9] =	wrdreg s7  }
0x1b: {  	v5 =	vor.u32 $0x2, v1;
	v6 =	vor.u32 $0x3, v1;
	v3 =	vmov s12;
	s13 =	sadd.s32 $0x80, s11;
	s14 =	sadd.s32 $0x100, s11;
	s15 =	sadd.s32 $0x180, s11  }
.LBB2_22:
0x1c: {  	[sflag:s31] =	ssyncadd.s32 $0xFFFFC000  }
.LBB2_23:
0x1d: {  	s2 =	sadd.s32 $0x1, s2  }
0x1e: {  	p1 =	sne.s32 s2, s17  }
.Ltmp1:
0x1f: {  	_ = 	snop;
	(pc) =	sbr.rel @!p1 .LBB2_24-.Ltmp1, $1  }
0x20: {  	_ =	sdelay $0x3  }
.LBB2_1:
0x21: {  	s1 =	simm.s32 @p0 $0x0;
	s6 =	simm.s32 @p0 $0x7580;
	s7 =	rddreg [dreg:$0x7]  }
0x22: {  	[tilespmem:s6], [sflag:$0x3] =	stream.linear.gather @p0 [hbm4b:s7+s1], $0x2440, $0x38;
	[tilespmem:$0x1C5D0] =	vst v63  }
0x23: {  	s1 =	simm.s32 @p0 $0x3  }
0x24: {  	_ =	swait.ge @p0 [sflag:s1], $0x2440  }
0x25: {  	s6 =	simm.s32 @!p0 $0x7580;
	[sflag:s1] =	ssyncset.done @p0 $0x0  }
0x26: {  	s7 =	rddreg [dreg:$0x6];
	[sflag:s1] =	ssyncadd.s32 @p0 $0xFFFFDBC0;
	s1 =	simm.s32 @!p0 $0x0  }
0x27: {  	v9 =	vor.u32 s3, v1;
	[tilespmem:s6], [sflag:$0x3] =	stream.linear.gather @!p0 [hbm4b:s7+s1], $0x2740, $0x38;
	[tilespmem:$0x1C5D0] =	vst v63  }
0x28: {  	v10 =	vor.u32 s3, v5;
	s1 =	simm.s32 @!p0 $0x3  }
0x29: {  	_ =	swait.ge @!p0 [sflag:s1], $0x2740  }
0x2a: {  	[sflag:s1] =	ssyncset.done @!p0 $0x0  }
0x2b: {  	v11 =	vor.u32 s3, v6;
	[sflag:s1] =	ssyncadd.s32 @!p0 $0xFFFFD8C0  }
0x2c: {  	v9 =	vld.idx.msk [tilespmem:v9+s19+$0x0], $0xffff  }
0x2d: {  	v10 =	vld.idx.msk [tilespmem:v10+s19+$0x0], $0xffff;
	_ =	sdelay $0x2  }
0x2e: {  	v11 =	vld.idx.msk [tilespmem:v11+s19+$0x0], $0xffff  }
0x2f: {  	v9 =	vand.u32 $0x3, v9  }
0x30: {  	s6 =	simm.s32 $0x40;
	v10 =	vmul.u32 $0xA2, v10;
	v9 =	vmul.u32 $0x6800, v9  }
0x31: {  	v12 =	vor.u32 s6, v1  }
0x32: {  	v13 =	vor.u32 s6, v5;
	v9 =	vadd.s32 v10, v9  }
0x33: {  	p1 =	slt.u32 s4, $0x9C40;
	v9 =	vadd.s32 v11, v9  }
0x34: {  	s12 =	simm.s32 $0x0;
	v9 =	vpsel !p1, $0x1A000, v9  }
0x35: {  	v10 =	vor.u32 s6, v6;
	[tilespmem:s12+$0x0] =	vst v9  }
0x36: {  	v9 =	vld.idx.msk [tilespmem:v12+s19+$0x0], $0xffff  }
0x37: {  	v12 =	vld.idx.msk [tilespmem:v13+s19+$0x0], $0xffff;
	_ =	sdelay $0x2  }
0x38: {  	v10 =	vld.idx.msk [tilespmem:v10+s19+$0x0], $0xffff  }
0x39: {  	v9 =	vand.u32 $0x3, v9  }
0x3a: {  	s1 =	simm.s32 $0x80;
	v12 =	vmul.u32 $0xA2, v12;
	v11 =	vmul.u32 $0x6800, v9  }
0x3b: {  	s8 =	simm.s32 $0xC0;
	s7 =	smov.u32 s4;
	v9 =	vor.u32 s1, v1  }
.LBB2_2:
0x3c: {  	p1 =	sne.s32 s8, $0x2700;
	v13 =	vor.u32 s1, v5;
	v11 =	vadd.s32 v12, v11;
	s7 =	sadd.s32 $0x10, s7  }
0x3d: {  	v10 =	vadd.s32 v10, v11;
	p2 =	slt.u32 s7, $0x9C40  }
0x3e: {  	s10 =	sshra.s32 s6, $0x2;
	s6 =	smov.u32 s1;
	s1 =	smov.u32 s8;
	v10 =	vpsel !p2, $0x1A000, v10  }
0x3f: {  	v11 =	vor.u32 s6, v6;
	[tilespmem:s10+$0x0] =	vst v10  }
0x40: {  	v9 =	vld.idx.msk [tilespmem:v9+s19+$0x0], $0xffff  }
0x41: {  	v12 =	vld.idx.msk [tilespmem:v13+s19+$0x0], $0xffff;
	_ =	sdelay $0x2  }
.Ltmp2:
0x42: {  	v10 =	vld.idx.msk [tilespmem:v11+s19+$0x0], $0xffff;
	(pc) =	sbr.rel @p1 .LBB2_2-.Ltmp2, $4  }
0x43: {  	_ = 	snop  }
0x44: {  	v9 =	vand.u32 $0x3, v9  }
0x45: {  	v11 =	vmul.u32 $0x6800, v9;
	v12 =	vmul.u32 $0xA2, v12  }
0x46: {  	s8 =	sadd.s32 $0x40, s8;
	v9 =	vor.u32 s1, v1  }
0x47: {  	v13 =	vor.u32 s1, v5;
	v11 =	vadd.s32 v12, v11;
	s7 =	sadd.s32 $0x10, s7  }
0x48: {  	v10 =	vadd.s32 v10, v11;
	p1 =	slt.u32 s7, $0x9C40  }
0x49: {  	s6 =	sshra.s32 s6, $0x2;
	v10 =	vpsel !p1, $0x1A000, v10  }
0x4a: {  	v11 =	vor.u32 s1, v6;
	[tilespmem:s6+$0x0] =	vst v10  }
0x4b: {  	v9 =	vld.idx.msk [tilespmem:v9+s19+$0x0], $0xffff  }
0x4c: {  	v10 =	vld.idx.msk [tilespmem:v13+s19+$0x0], $0xffff;
	_ =	sdelay $0x2  }
0x4d: {  	v11 =	vld.idx.msk [tilespmem:v11+s19+$0x0], $0xffff  }
0x4e: {  	v9 =	vand.u32 $0x3, v9  }
0x4f: {  	v9 =	vmul.u32 $0x6800, v9;
	v10 =	vmul.u32 $0xA2, v10;
	_ =	sdelay $0x1  }
0x50: {  	s7 =	sadd.s32 $0x10, s7;
	v9 =	vadd.s32 v10, v9  }
0x51: {  	p6 =	slt.u32 s7, $0x9C40;
	v9 =	vadd.s32 v11, v9  }
0x52: {  	s8 =	sshra.s32 s1, $0x2;
	v9 =	vpsel !p6, $0x1A000, v9  }
0x53: {  	s10 =	simm.s32 $0x0;
	s12 =	rddreg [dreg:$0x8];
	[tilespmem:s8+$0x0] =	vst v9  }
0x54: {  	[spmem:s12] =	stream.linear.scatter [tilespmem:s10], [sflag:$0x3], $0x9D0, $0x38;
	[tilespmem:$0x1C5D0] =	vst v63  }
0x55: {  	_ =	swait.ge [sflag:s20], $0x9D0  }
0x56: {  	[sflag:s20] =	ssyncset.done $0x0  }
0x57: {  	[sflag:s20] =	ssyncadd.s32 $0xFFFFF630  }
0x58: {  	s1 =	simm.s32 $0x40;
	s6 =	simm.s32 $0x0;
	[bflag:$0x0] =	sbarrier.arrive $0xFFFF  }
.LBB2_4:
0x59: {  	p1 =	sne.s32 s1, $0xCFC0;
	[tilespmem:s6+$0x3480] =	vst v7;
	s6 =	smov.u32 s1;
	s1 =	sadd.s32 $0x40, s1  }
.Ltmp3:
0x5a: {  	(pc) =	sbr.rel @p1 .LBB2_4-.Ltmp3, $2  }
0x5b: {  	_ =	sdelay $0x2  }
0x5c: {  	s6 =	sshra.s32 s6, $0x2  }
0x5d: {  	[tilespmem:s6+$0x3480] =	vst v7;
	s1 =	simm.s32 $0x0;
	s12 =	rddreg [dreg:$0x9]  }
0x5e: {  	[tilespmem:s1], [sflag:$0x3] =	stream.linear.gather [spmem:s12], $0x2740, $0x38;
	[tilespmem:$0x1C5D0] =	vst v63  }
0x5f: {  	_ =	swait.ge [sflag:s20], $0x2740  }
0x60: {  	[sflag:s20] =	ssyncset.done $0x0  }
0x61: {  	s6 =	simm.s32 $0x20;
	[sflag:s20] =	ssyncadd.s32 $0xFFFFD8C0  }
.LBB2_6:
0x62: {  	v9 =	vld [tilespmem:s6+$0xFFFFFFE0];
	_ =	sdelay $0x4  }
0x63: {  	v9 =	vsub.s32 v9, v2  }
0x64: {  	vm0 =	vlt.u32 v9, $0x3400  }
0x65: {  	v9 =	vnsel vm0, $0x0, v9;
	_ =	sdelay $0x2  }
0x66: {  	s7 =	sadd.s32 s1, s9  }
0x67: {  	v10 =	vor.u32 s7, v0  }
0x68: {  	[tilespmem:v9+s21+$0x0] =	vst.idx.msk vm0, v10  }
0x69: {  	v9 =	vld [tilespmem:s6+$0xFFFFFFF0];
	_ =	sdelay $0x4  }
0x6a: {  	v9 =	vsub.s32 v9, v2  }
0x6b: {  	vm13 =	vlt.u32 v9, $0x3400  }
0x6c: {  	v9 =	vnsel vm13, $0x0, v9;
	_ =	sdelay $0x2  }
0x6d: {  	s8 =	sadd.s32 $0x10, s7  }
0x6e: {  	v10 =	vor.u32 s8, v0  }
0x6f: {  	[tilespmem:v9+s21+$0x0] =	vst.idx.msk vm13, v10  }
0x70: {  	v9 =	vld [tilespmem:s6+$0x0];
	_ =	sdelay $0x4  }
0x71: {  	v9 =	vsub.s32 v9, v2  }
0x72: {  	vm14 =	vlt.u32 v9, $0x3400  }
0x73: {  	v9 =	vnsel vm14, $0x0, v9;
	_ =	sdelay $0x2  }
0x74: {  	s12 =	sadd.s32 $0x20, s7  }
0x75: {  	v10 =	vor.u32 s12, v0  }
0x76: {  	[tilespmem:v9+s21+$0x0] =	vst.idx.msk vm14, v10  }
0x77: {  	v9 =	vld [tilespmem:s6+$0x10];
	_ =	sdelay $0x4  }
0x78: {  	v9 =	vsub.s32 v9, v2  }
0x79: {  	vm15 =	vlt.u32 v9, $0x3400  }
0x7a: {  	p1 =	sne.s32 s1, $0x2700;
	v9 =	vnsel vm15, $0x0, v9  }
.Ltmp4:
0x7b: {  	_ = 	snop;
	(pc) =	sbr.rel @p1 .LBB2_6-.Ltmp4, $4  }
0x7c: {  	_ = 	snop  }
0x7d: {  	s7 =	sadd.s32 $0x30, s7  }
0x7e: {  	v10 =	vor.u32 s7, v0  }
0x7f: {  	s1 =	sadd.s32 $0x40, s1;
	s6 =	sadd.s32 $0x40, s6;
	[tilespmem:v9+s21+$0x0] =	vst.idx.msk vm15, v10  }
0x80: {  	s1 =	rddreg [dreg:$0xa]  }
0x81: {  	[spmem:s1] =	stream.strided.scatter [tilespmem:s21], [sflag:$0x3], $0x3400, s23, s22, $0x38;
	[tilespmem:$0x1C5D0] =	vst v63  }
0x82: {  	_ =	swait.ge [sflag:s20], $0x3400  }
0x83: {  	[sflag:s20] =	ssyncset.done $0x0  }
0x84: {  	[sflag:s20] =	ssyncadd.s32 $0xFFFFCC00  }
0x85: {  	[bflag:$0x0] =	sbarrier.arrive $0xFFFF  }
0x86: {  	[tilespmem:s24], [sflag:$0x3] =	stream.strided.gather [spmem:s11], $0xD00, s23, s22, $0x38;
	[tilespmem:$0x1C5D0] =	vst v63  }
0x87: {  	_ =	swait.ge [sflag:s20], $0xD00  }
0x88: {  	[sflag:s20] =	ssyncset.done $0x0  }
0x89: {  	[sflag:s20] =	ssyncadd.s32 $0xFFFFF300  }
0x8a: {  	[tilespmem:s25], [sflag:$0x3] =	stream.strided.gather [spmem:s13], $0xD00, s23, s22, $0x38;
	[tilespmem:$0x1C5D0] =	vst v63  }
0x8b: {  	_ =	swait.ge [sflag:s20], $0xD00  }
0x8c: {  	[sflag:s20] =	ssyncset.done $0x0  }
0x8d: {  	s1 =	simm.s32 $0x0;
	[sflag:s20] =	ssyncadd.s32 $0xFFFFF300  }
0x8e: {  	s6 =	simm.s32 $0x40;
	v9 =	vld [tilespmem:s1+$0x6880]  }
.LBB2_8:
0x8f: {  	p1 =	sne.s32 s6, $0x33C0;
	v10 =	vld [tilespmem:s1+$0x2780];
	_ =	sdelay $0x2  }
.Ltmp5:
0x90: {  	(pc) =	sbr.rel @p1 .LBB2_8-.Ltmp5, $4  }
0x91: {  	_ = 	snop  }
0x92: {  	vm0 =	vgt.s32 v10, v9  }
0x93: {  	s7 =	sshra.s32 s6, $0x2;
	v10 =	vsel vm0, v10, v9  }
0x94: {  	s6 =	sadd.s32 $0x40, s6;
	v9 =	vld [tilespmem:s7+$0x6880];
	[tilespmem:s1+$0x2780] =	vst v10;
	s1 =	smov.u32 s7  }
0x95: {  	v10 =	vld [tilespmem:s1+$0x2780];
	_ =	sdelay $0x4  }
0x96: {  	vm0 =	vgt.s32 v10, v9  }
0x97: {  	v9 =	vsel vm0, v10, v9  }
0x98: {  	[tilespmem:s1+$0x2780] =	vst v9  }
0x99: {  	[tilespmem:s25], [sflag:$0x3] =	stream.strided.gather [spmem:s14], $0xD00, s23, s22, $0x38;
	[tilespmem:$0x1C5D0] =	vst v63  }
0x9a: {  	_ =	swait.ge [sflag:s20], $0xD00  }
0x9b: {  	[sflag:s20] =	ssyncset.done $0x0  }
0x9c: {  	s1 =	simm.s32 $0x0;
	[sflag:s20] =	ssyncadd.s32 $0xFFFFF300  }
0x9d: {  	s6 =	simm.s32 $0x40;
	v9 =	vld [tilespmem:s1+$0x6880]  }
.LBB2_10:
0x9e: {  	p1 =	sne.s32 s6, $0x33C0;
	v10 =	vld [tilespmem:s1+$0x2780];
	_ =	sdelay $0x2  }
.Ltmp6:
0x9f: {  	(pc) =	sbr.rel @p1 .LBB2_10-.Ltmp6, $4  }
0xa0: {  	_ = 	snop  }
0xa1: {  	vm0 =	vgt.s32 v10, v9  }
0xa2: {  	s7 =	sshra.s32 s6, $0x2;
	v10 =	vsel vm0, v10, v9  }
0xa3: {  	s6 =	sadd.s32 $0x40, s6;
	v9 =	vld [tilespmem:s7+$0x6880];
	[tilespmem:s1+$0x2780] =	vst v10;
	s1 =	smov.u32 s7  }
0xa4: {  	v10 =	vld [tilespmem:s1+$0x2780];
	_ =	sdelay $0x4  }
0xa5: {  	vm0 =	vgt.s32 v10, v9  }
0xa6: {  	v9 =	vsel vm0, v10, v9  }
0xa7: {  	[tilespmem:s1+$0x2780] =	vst v9  }
0xa8: {  	[tilespmem:s25], [sflag:$0x3] =	stream.strided.gather [spmem:s15], $0xD00, s23, s22, $0x38;
	[tilespmem:$0x1C5D0] =	vst v63  }
0xa9: {  	_ =	swait.ge [sflag:s20], $0xD00  }
0xaa: {  	[sflag:s20] =	ssyncset.done $0x0  }
0xab: {  	s1 =	simm.s32 $0x0;
	[sflag:s20] =	ssyncadd.s32 $0xFFFFF300  }
0xac: {  	s6 =	simm.s32 $0x40;
	v9 =	vld [tilespmem:s1+$0x6880]  }
.LBB2_12:
0xad: {  	p1 =	sne.s32 s6, $0x33C0;
	v10 =	vld [tilespmem:s1+$0x2780];
	_ =	sdelay $0x2  }
.Ltmp7:
0xae: {  	(pc) =	sbr.rel @p1 .LBB2_12-.Ltmp7, $4  }
0xaf: {  	_ = 	snop  }
0xb0: {  	vm0 =	vgt.s32 v10, v9  }
0xb1: {  	s7 =	sshra.s32 s6, $0x2;
	v10 =	vsel vm0, v10, v9  }
0xb2: {  	s6 =	sadd.s32 $0x40, s6;
	v9 =	vld [tilespmem:s7+$0x6880];
	[tilespmem:s1+$0x2780] =	vst v10;
	s1 =	smov.u32 s7  }
0xb3: {  	v10 =	vld [tilespmem:s1+$0x2780];
	_ =	sdelay $0x4  }
0xb4: {  	vm0 =	vgt.s32 v10, v9  }
0xb5: {  	v9 =	vsel vm0, v10, v9  }
0xb6: {  	[tilespmem:s1+$0x2780] =	vst v9;
	s1 =	simm.s32 $0x0  }
0xb7: {  	[hbm4b:s16+s1] =	stream.linear.scatter [tilespmem:s24], [sflag:$0x3], $0xD00, $0x38;
	[tilespmem:$0x1C5D0] =	vst v63  }
0xb8: {  	v9 =	vor.u32 s1, v0;
	_ =	swait.ge [sflag:s20], $0xD00  }
0xb9: {  	v10 =	vadd.s32 v3, v9;
	v9 =	vadd.s32 v4, v9;
	[sflag:s20] =	ssyncset.done $0x0  }
0xba: {  	s6 =	simm.s32 $0x15D00;
	v10 =	vand.u32 $0x3FFF, v10;
	v9 =	vand.u32 $0x7F, v9;
	[sflag:s20] =	ssyncadd.s32 $0xFFFFF300  }
0xbb: {  	s7 =	simm.s32 $0x16A80;
	v9 =	vor.u32 $0x1A000, v9;
	[tilespmem:s6+$0x0] =	vst v10  }
0xbc: {  	s8 =	simm.s32 $0x10;
	[tilespmem:s7+$0x0] =	vst v9  }
.LBB2_14:
0xbd: {  	p1 =	sne.s32 s8, $0xD70  }
.Ltmp8:
0xbe: {  	v9 =	vor.u32 s8, v0;
	s8 =	sadd.s32 $0x10, s8;
	(pc) =	sbr.rel @p1 .LBB2_14-.Ltmp8, $4  }
0xbf: {  	v10 =	vadd.s32 v3, v9;
	v9 =	vadd.s32 v4, v9  }
0xc0: {  	s6 =	sadd.s32 $0x10, s6;
	v10 =	vand.u32 $0x3FFF, v10;
	v9 =	vand.u32 $0x7F, v9  }
0xc1: {  	s7 =	sadd.s32 $0x10, s7;
	[tilespmem:s6+$0x0] =	vst v10;
	v9 =	vor.u32 $0x1A000, v9  }
0xc2: {  	[tilespmem:s7+$0x0] =	vst v9  }
0xc3: {  	s6 =	simm.s32 $0x0  }
0xc4: {  	v9 =	vld [tilespmem:s6+$0x2780];
	_ =	sdelay $0x4  }
0xc5: {  	vm0 =	vgt.s32 v9, $0xFFFFFFFF  }
0xc6: {  	v10 =	vsel vm0, $0x1, v8  }
0xc7: {  	(xrf0) =	vadd.scan.msk.s32 $0xffff, v10;
	_ =	sdelay $0x5  }
0xc8: {  	v10, _, _ =	vpop (xrf0)  }
0xc9: {  	(v2sf) =	vpush v10, $0xF  }
0xca: {  	[tilespmem:s1+$0x15D00] =	vst.msk vm0, v9;
	v9 =	vor.u32 s18, v0  }
0xcb: {  	s8 =	simm.s32 $0x10;
	s7 =	simm.s32 $0x80;
	s6 =	smov.u32 s18;
	[tilespmem:s1+$0x16A80] =	vst.msk vm0, v9  }
.LBB2_16:
0xcc: {  	p1 =	sne.s32 s7, $0x33C0;
	v9 =	vld [tilespmem:s8+$0x2780];
	_ =	sdelay $0x4  }
0xcd: {  	vm0 =	vgt.s32 v9, $0xFFFFFFFF  }
0xce: {  	v10 =	vsel vm0, $0x1, v8  }
0xcf: {  	(xrf0) =	vadd.scan.msk.s32 $0xffff, v10;
	_ =	sdelay $0x4  }
.Ltmp9:
0xd0: {  	s8 =	spop (v2sf);
	(pc) =	sbr.rel @p1 .LBB2_16-.Ltmp9, $4  }
0xd1: {  	s6 =	sadd.s32 $0x10, s6;
	v10, _, _ =	vpop (xrf0);
	s1 =	sadd.s32 s1, s8  }
0xd2: {  	[tilespmem:s1+$0x15D00] =	vst.msk vm0, v9;
	v9 =	vor.u32 s6, v0;
	(v2sf) =	vpush v10, $0xF  }
0xd3: {  	[tilespmem:s1+$0x16A80] =	vst.msk vm0, v9  }
0xd4: {  	s8 =	sshra.s32 s7, $0x2;
	s7 =	sadd.s32 $0x40, s7  }
0xd5: {  	v9 =	vld [tilespmem:s8+$0x2780];
	_ =	sdelay $0x4  }
0xd6: {  	vm0 =	vgt.s32 v9, $0xFFFFFFFF  }
0xd7: {  	v10 =	vsel vm0, $0x1, v8  }
0xd8: {  	(xrf0) =	vadd.scan.msk.s32 $0xffff, v10;
	_ =	sdelay $0x5  }
0xd9: {  	v10, _, _ =	vpop (xrf0)  }
0xda: {  	(v2sf) =	vpush v10, $0xF;
	_ =	sdelay $0x4  }
0xdb: {  	s7 =	spop (v2sf)  }
0xdc: {  	s6 =	sadd.s32 $0x10, s6;
	s1 =	sadd.s32 s1, s7  }
0xdd: {  	[tilespmem:s1+$0x15D00] =	vst.msk vm0, v9;
	v9 =	vor.u32 s6, v0  }
0xde: {  	s6 =	simm.s32 $0x0;
	[tilespmem:s1+$0x16A80] =	vst.msk vm0, v9  }
0xdf: {  	v9 =	vld [tilespmem:s6+$0x16AF0]  }
0xe0: {  	v13 =	vld [tilespmem:s6+$0x16A80]  }
0xe1: {  	v14 =	vld [tilespmem:s6+$0x16A90]  }
0xe2: {  	v12 =	vld [tilespmem:s6+$0x16AA0]  }
0xe3: {  	v10 =	vld [tilespmem:s6+$0x16AB0]  }
0xe4: {  	v11 =	vld [tilespmem:s6+$0x16AC0];
	[tilespmem:s6+$0x17870] =	vst v9  }
0xe5: {  	[tilespmem:s6+$0x17800] =	vst v13;
	v9 =	vld [tilespmem:s6+$0x16AD0];
	s12 =	spop (v2sf)  }
0xe6: {  	s8 =	simm.s32 $0x400;
	[tilespmem:s6+$0x17810] =	vst v14;
	v13 =	vld [tilespmem:s6+$0x16AE0];
	s7 =	sadd.s32 s1, s12;
	s1 =	simm.s32 $0x80  }
.LBB2_18:
0xe7: {  	p1 =	sne.s32 s8, $0x3400;
	v14 =	vld [tilespmem:s1+$0x16AF0];
	[tilespmem:s6+$0x17820] =	vst v12  }
0xe8: {  	v15 =	vld [tilespmem:s1+$0x16A80];
	[tilespmem:s6+$0x17830] =	vst v10  }
0xe9: {  	v16 =	vld [tilespmem:s1+$0x16A90];
	[tilespmem:s6+$0x17840] =	vst v11  }
.Ltmp10:
0xea: {  	v12 =	vld [tilespmem:s1+$0x16AA0];
	[tilespmem:s6+$0x17850] =	vst v9;
	(pc) =	sbr.rel @p1 .LBB2_18-.Ltmp10, $4  }
0xeb: {  	v10 =	vld [tilespmem:s1+$0x16AB0];
	[tilespmem:s6+$0x17860] =	vst v13;
	s6 =	smov.u32 s1  }
0xec: {  	v11 =	vld [tilespmem:s6+$0x16AC0];
	[tilespmem:s6+$0x17870] =	vst v14  }
0xed: {  	[tilespmem:s6+$0x17800] =	vst v15;
	v9 =	vld [tilespmem:s6+$0x16AD0]  }
0xee: {  	s1 =	sshra.s32 s8, $0x2;
	s8 =	sadd.s32 $0x200, s8;
	[tilespmem:s6+$0x17810] =	vst v16;
	v13 =	vld [tilespmem:s6+$0x16AE0]  }
0xef: {  	s8 =	sadd.s32 $0x17F, s7  }
0xf0: {  	v14 =	vld [tilespmem:s1+$0x16AF0];
	[tilespmem:s6+$0x17820] =	vst v12;
	s10 =	smulhi.u32 $0x2AAAAAAB, s8;
	s12 =	sshra.s32 s8, $0x1F  }
0xf1: {  	v12 =	vld [tilespmem:s1+$0x16A80];
	[tilespmem:s6+$0x17830] =	vst v10;
	s12 =	smul.u32 $0x2AAAAAAB, s12  }
0xf2: {  	v10 =	vld [tilespmem:s1+$0x16A90];
	[tilespmem:s6+$0x17840] =	vst v11  }
0xf3: {  	v11 =	vld [tilespmem:s1+$0x16AA0];
	[tilespmem:s6+$0x17850] =	vst v9;
	s12 =	sadd.s32 s12, s10  }
0xf4: {  	v9 =	vld [tilespmem:s1+$0x16AB0];
	[tilespmem:s6+$0x17860] =	vst v13;
	s10 =	sshrl.u32 s12, $0x1F;
	s6 =	sshra.s32 s12, $0x6  }
0xf5: {  	s6 =	sadd.s32 s10, s6  }
0xf6: {  	s10 =	smul.u32 $0xFFFFFE80, s6  }
0xf7: {  	s12 =	ssub.s32 $0xFFFFFE81, s7  }
0xf8: {  	p1 =	slt.s32 s8, $0x1;
	p2 =	sne.s32 s10, s12  }
0xf9: {  	p1 =	por !p1, !p2  }
0xfa: {  	s7 =	simm.s32 $0x1;
	p1 =	por !p1, !p1  }
0xfb: {  	v13 =	vld [tilespmem:s1+$0x16AC0];
	[tilespmem:s1+$0x17870] =	vst v14;
	s7 =	simm.s32 @!p1 $0x0  }
0xfc: {  	v63 =	vld [tilespmem:s1+$0x16AD0];
	[tilespmem:s1+$0x17800] =	vst v12;
	s7 =	ssub.s32 s6, s7  }
0xfd: {  	[tilespmem:s1+$0x17810] =	vst v10;
	v10 =	vld [tilespmem:s1+$0x16AE0];
	p1 =	slt.s32 s7, $0x1  }
.Ltmp11:
0xfe: {  	[tilespmem:s1+$0x17820] =	vst v11;
	(pc) =	sbr.rel @p1 .LBB2_23-.Ltmp11, $4  }
0xff: {  	[tilespmem:s1+$0x17830] =	vst v9  }
0x100: {  	[tilespmem:s1+$0x17840] =	vst v13  }
0x101: {  	[tilespmem:s1+$0x17850] =	vst v63  }
0x102: {  	[tilespmem:s1+$0x17860] =	vst v10  }
0x103: {  	s1 =	simm.s32 $0x15D00  }
0x104: {  	[tilespmem:s28], [sflag:$0x1] =	stream.indirect.gather [hbm4b:s0+s22], $0x80, s1, s22, $0xb8;
	[tilespmem:$0x1C5D0] =	vst v63  }
0x105: {  	s6 =	simm.s32 $0x15D80  }
0x106: {  	[tilespmem:s29], [sflag:$0x1] =	stream.indirect.gather [hbm4b:s0+s22], $0x80, s6, s22, $0xb8;
	[tilespmem:$0x1C5D0] =	vst v63  }
0x107: {  	s8 =	simm.s32 $0x15E00  }
0x108: {  	[tilespmem:s30], [sflag:$0x1] =	stream.indirect.gather [hbm4b:s0+s22], $0x80, s8, s22, $0xb8;
	[tilespmem:$0x1C5D0] =	vst v63  }
0x109: {  	_ =	swait.ge [sflag:s26], $0x4000  }
0x10a: {  	[sflag:s26] =	ssyncset.done $0x0  }
0x10b: {  	[sflag:s26] =	ssyncadd.s32 $0xFFFFC000  }
0x10c: {  	_ =	swait.ge [sflag:s26], $0x4000  }
0x10d: {  	[sflag:s26] =	ssyncset.done $0x0  }
0x10e: {  	[sflag:s26] =	ssyncadd.s32 $0xFFFFC000  }
0x10f: {  	_ =	swait.ge [sflag:s26], $0x4000  }
0x110: {  	[sflag:s26] =	ssyncset.done $0x0  }
0x111: {  	s10 =	simm.s32 $0x17800;
	[sflag:s26] =	ssyncadd.s32 $0xFFFFC000  }
0x112: {  	[hbm4b:s5+s22] =	stream.indirect.scatter [tilespmem:s28], [sflag:$0x2], $0x80, s10, s22, $0xb8;
	[tilespmem:$0x1C5D0] =	vst v63  }
0x113: {  	s12 =	simm.s32 $0x17880  }
0x114: {  	[hbm4b:s5+s22] =	stream.indirect.scatter [tilespmem:s29], [sflag:$0x2], $0x80, s12, s22, $0xb8;
	[tilespmem:$0x1C5D0] =	vst v63  }
0x115: {  	s6 =	simm.s32 $0x17900  }
0x116: {  	[hbm4b:s5+s22] =	stream.indirect.scatter [tilespmem:s30], [sflag:$0x2], $0x80, s6, s22, $0xb8;
	[tilespmem:$0x1C5D0] =	vst v63  }
0x117: {  	_ =	swait.ge [sflag:s31], $0x4000  }
0x118: {  	[sflag:s31] =	ssyncset.done $0x0  }
0x119: {  	p1 =	sne.s32 s7, $0x1;
	[sflag:s31] =	ssyncadd.s32 $0xFFFFC000  }
.Ltmp12:
0x11a: {  	_ =	swait.ge [sflag:s31], $0x4000;
	(pc) =	sbr.rel @!p1 .LBB2_22-.Ltmp12, $4  }
0x11b: {  	[sflag:s31] =	ssyncset.done $0x0  }
0x11c: {  	[sflag:s31] =	ssyncadd.s32 $0xFFFFC000  }
0x11d: {  	_ =	swait.ge [sflag:s31], $0x4000  }
0x11e: {  	s7 =	sadd.s32 $0xFFFFFFFF, s7;
	[sflag:s31] =	ssyncset.done $0x0  }
.LBB2_21:
0x11f: {  	[sflag:s31] =	ssyncadd.s32 $0xFFFFC000;
	s6 =	sadd.s32 $0x180, s6;
	s1 =	sadd.s32 $0x180, s1  }
0x120: {  	[tilespmem:s28], [sflag:$0x1] =	stream.indirect.gather [hbm4b:s0+s22], $0x80, s1, s22, $0xb8;
	[tilespmem:$0x1C5D0] =	vst v63  }
0x121: {  	p1 =	sne.s32 s7, $0x1;
	s7 =	sadd.s32 $0xFFFFFFFF, s7;
	s8 =	sadd.s32 $0x80, s1  }
0x122: {  	[tilespmem:s29], [sflag:$0x1] =	stream.indirect.gather [hbm4b:s0+s22], $0x80, s8, s22, $0xb8;
	[tilespmem:$0x1C5D0] =	vst v63  }
0x123: {  	s8 =	sadd.s32 $0x100, s1  }
0x124: {  	[tilespmem:s30], [sflag:$0x1] =	stream.indirect.gather [hbm4b:s0+s22], $0x80, s8, s22, $0xb8;
	[tilespmem:$0x1C5D0] =	vst v63  }
0x125: {  	_ =	swait.ge [sflag:s26], $0x4000  }
0x126: {  	[sflag:s26] =	ssyncset.done $0x0  }
0x127: {  	[sflag:s26] =	ssyncadd.s32 $0xFFFFC000  }
0x128: {  	_ =	swait.ge [sflag:s26], $0x4000  }
0x129: {  	[sflag:s26] =	ssyncset.done $0x0  }
0x12a: {  	[sflag:s26] =	ssyncadd.s32 $0xFFFFC000  }
0x12b: {  	_ =	swait.ge [sflag:s26], $0x4000  }
0x12c: {  	[sflag:s26] =	ssyncset.done $0x0  }
0x12d: {  	s8 =	sadd.s32 $0xFFFFFF00, s6;
	[sflag:s26] =	ssyncadd.s32 $0xFFFFC000  }
0x12e: {  	[hbm4b:s5+s22] =	stream.indirect.scatter [tilespmem:s28], [sflag:$0x2], $0x80, s8, s22, $0xb8;
	[tilespmem:$0x1C5D0] =	vst v63  }
0x12f: {  	s8 =	sadd.s32 $0xFFFFFF80, s6  }
0x130: {  	[hbm4b:s5+s22] =	stream.indirect.scatter [tilespmem:s29], [sflag:$0x2], $0x80, s8, s22, $0xb8;
	[tilespmem:$0x1C5D0] =	vst v63  }
0x131: {  	_ = 	snop  }
0x132: {  	[hbm4b:s5+s22] =	stream.indirect.scatter [tilespmem:s30], [sflag:$0x2], $0x80, s6, s22, $0xb8;
	[tilespmem:$0x1C5D0] =	vst v63  }
0x133: {  	_ =	swait.ge [sflag:s31], $0x4000  }
0x134: {  	[sflag:s31] =	ssyncset.done $0x0  }
0x135: {  	[sflag:s31] =	ssyncadd.s32 $0xFFFFC000  }
.Ltmp13:
0x136: {  	_ =	swait.ge [sflag:s31], $0x4000;
	(pc) =	sbr.rel @p1 .LBB2_21-.Ltmp13, $4  }
0x137: {  	[sflag:s31] =	ssyncset.done $0x0  }
0x138: {  	[sflag:s31] =	ssyncadd.s32 $0xFFFFC000  }
0x139: {  	_ =	swait.ge [sflag:s31], $0x4000  }
0x13a: {  	[sflag:s31] =	ssyncset.done $0x0  }
.Ltmp14:
0x13b: {  	_ = 	snop;
	(pc) =	sbr.rel .LBB2_22-.Ltmp14, $1  }
0x13c: {  	_ =	sdelay $0x3  }
.LBB2_24:
0x13d: {  	_ =	sfence.sel $0x180000  }
0x13e: {  	[bflag:$0x0] =	sbarrier.arrive $0xFFFF  }
0x13f: {  	_ =	strace $0x90000047  }
0x140: {  	s0 =	stileid.u32;
	[bflag:$0x2] =	sbarrier.arrive $0xFFFF  }
0x141: {  	p0 =	sne.s32 s0, $0x0;
	s0 =	rddreg [dreg:$0x5]  }
0x142: {  	s0 =	sadd.s32 @!p0 $0x100000, s0  }
0x143: {  	[sflag:s0] =	ssyncadd.tile.s32 @!p0 $0x1;
	_ =	shalt  }
.Lfunc_end2:
_tile_overlayer_lowered:
.L_overlay_start_2:
0x144: {  	(tag) =	ssettag $0x2  }
0x145: {  	s0 =	rddreg [dreg:$0x0];
	s2 =	stileid.u32  }
0x146: {  	s1 =	rddreg [dreg:$0x1];
	p0 =	sne.s32 s2, $0x0  }
0x147: {  	s3 =	rddreg [dreg:$0x2];
	[bflag:$0x3] =	sbarrier.arrive $0xFFFF;
	s2 =	simm.s32 @!p0 $0x1C03  }
0x148: {  	[timem:s3], [sflag:s2] =	dma.local @!p0 [hbm:s0], s1  }
0x149: {  	s0 =	simm.s32 @!p0 $0x3  }
0x14a: {  	_ =	swait.ge @!p0 [sflag:s0], s1  }
0x14b: {  	s1 =	ssub.s32 @!p0 $0x0, s1;
	[sflag:s0] =	ssyncset.done @!p0 $0x0  }
0x14c: {  	[sflag:s0] =	ssyncadd.s32 @!p0 s1  }
0x14d: {  	[bflag:$0x3] =	sbarrier.arrive $0xFFFF  }
0x14e: {  	_ =	shalt  }

</sc_bundles>
